<compile_context>
chip_gen: v7x
topology: tpu7x:2x2x1
jax: 0.10.2.dev20260603
libtpu: 0.0.44.dev20260713+nightly
codegen_flags: <defaults>
</compile_context>

<pallas_src>
import functools

import jax
import jax.numpy as jnp
from jax import lax
from jax.experimental import pallas as pl
from jax.experimental.pallas import tpu as pltpu
from jax.experimental.pallas import tpu_sc as plsc

B = 1024
H = 32
N = 100000
K = 7
BLK = 1024
NBLK = 98
NPAD = NBLK * BLK
LAMBDA = 0.01
SCALE = float(H) ** -0.5
PEN_BASE = -4.0
PEN_STEP = 2.0 ** -18
NEG = -3.0e38


def _topk_kernel(qe_ref, qt_ref, pe_ref, pt_ref, out_ref,
                 rv_ref, rif_ref, qtx_ref, kref):
    b = pl.program_id(0)

    @pl.when(b == 0)
    def _init():
        rv_ref[...] = jnp.full((B, K), NEG, dtype=jnp.float32)
        rif_ref[...] = jnp.zeros((B, K), dtype=jnp.float32)
        minpt = jnp.min(pt_ref[...])
        qt0 = qt_ref[...]
        qtx_ref[...] = jnp.where(qt0 <= minpt, jnp.float32(jnp.inf), qt0)

    qe = qe_ref[...]
    qnorm = jnp.sqrt(jnp.sum(qe * qe, axis=1, keepdims=True))
    qn = qe / jnp.maximum(qnorm, 1e-12)
    ce = pe_ref[...]
    cnorm = jnp.sqrt(jnp.sum(ce * ce, axis=1, keepdims=True))
    cn = ce / jnp.maximum(cnorm, 1e-12)
    sims = jnp.dot(qn, cn.T, preferred_element_type=jnp.float32)
    pt = pt_ref[pl.ds(b, 1), :]
    qt = qt_ref[...]
    tw = jnp.exp(-LAMBDA * jnp.abs(qt - pt))
    sims = sims * tw
    gidxf_row = (jax.lax.broadcasted_iota(jnp.int32, (1, BLK), 1)
                 .astype(jnp.float32) + jnp.float32(b * BLK))
    pen_row = PEN_BASE - gidxf_row * PEN_STEP
    keys = jnp.where(pt < qtx_ref[...], sims, pen_row)

    rmin = rv_ref[:, K - 1:K]
    cntf = jnp.sum((keys > rmin).astype(jnp.float32), axis=1, keepdims=True)
    kref[...] = keys

    maxcnt = jnp.max(cntf)
    for j in range(K):
        @pl.when(jnp.float32(j) < maxcnt)
        def _extract():
            k = kref[...]
            mx = jnp.max(k, axis=1, keepdims=True)
            eq = k == mx
            amf = jnp.min(jnp.where(eq, gidxf_row, jnp.float32(3e38)),
                          axis=1, keepdims=True)
            kref[...] = jnp.where(eq, NEG, k)
            rv = rv_ref[...]
            ri = rif_ref[...]
            shift_v = jnp.concatenate(
                [jnp.full((B, 1), jnp.inf, jnp.float32), rv[:, :K - 1]],
                axis=1)
            shift_i = jnp.concatenate([ri[:, :1], ri[:, :K - 1]], axis=1)
            ge = rv >= mx
            gesh = shift_v >= mx
            rv_ref[...] = jnp.where(ge, rv, jnp.where(gesh, mx, shift_v))
            rif_ref[...] = jnp.where(ge, ri, jnp.where(gesh, amf, shift_i))

    @pl.when(b == NBLK - 1)
    def _emit():
        rif = rif_ref[...]
        rif = jnp.minimum(jnp.maximum(rif, 0.0), jnp.float32(N - 1))
        out_ref[...] = (rif + 0.5).astype(jnp.int32)


def _topk_call(qe, qt, pe, pt):
    return pl.pallas_call(
        _topk_kernel,
        grid=(NBLK,),
        in_specs=[
            pl.BlockSpec((B, H), lambda b: (0, 0)),
            pl.BlockSpec((B, 1), lambda b: (0, 0)),
            pl.BlockSpec((BLK, H), lambda b: (b, 0)),
            pl.BlockSpec((NBLK, BLK), lambda b: (0, 0)),
        ],
        out_specs=pl.BlockSpec((B, K), lambda b: (0, 0)),
        out_shape=jax.ShapeDtypeStruct((B, K), jnp.int32),
        scratch_shapes=[
            pltpu.VMEM((B, K), jnp.float32),
            pltpu.VMEM((B, K), jnp.float32),
            pltpu.VMEM((B, 1), jnp.float32),
            pltpu.VMEM((B, BLK), jnp.float32),
        ],
    )(qe, qt, pe, pt)


def _sc_gather(table, idx):
    info = plsc.get_sparse_core_info()
    nw = info.num_cores * info.num_subcores
    m = idx.shape[0]
    per_w = m // nw
    mesh = plsc.VectorSubcoreMesh(core_axis_name="c", subcore_axis_name="s")

    @functools.partial(
        pl.kernel, mesh=mesh,
        out_type=jax.ShapeDtypeStruct((m, H), jnp.float32),
        compiler_params=pltpu.CompilerParams(use_tc_tiling_on_sc=False),
        scratch_types=[
            pltpu.VMEM((per_w,), jnp.int32),
            pltpu.VMEM((per_w, H), jnp.float32),
            pltpu.SemaphoreType.DMA,
        ],
    )
    def gk(table_hbm, idx_hbm, out_hbm, idx_v, rows_v, sem):
        wid = lax.axis_index("s") * info.num_cores + lax.axis_index("c")
        base = wid * per_w
        pltpu.sync_copy(idx_hbm.at[pl.ds(base, per_w)], idx_v)
        pltpu.async_copy(table_hbm.at[idx_v], rows_v, sem).wait()
        pltpu.sync_copy(rows_v, out_hbm.at[pl.ds(base, per_w)])

    return gk(table, idx)


def _fusion_kernel(qe_ref, retr_ref, out_ref):
    q = qe_ref[...]
    retr = retr_ref[...]
    cols = [retr[:, j * H:(j + 1) * H] for j in range(K)]
    s = [jnp.sum(q * c, axis=1, keepdims=True) * SCALE for c in cols]
    S = jnp.concatenate(s, axis=1)
    m = jnp.max(S, axis=1, keepdims=True)
    e = jnp.exp(S - m)
    w = e / jnp.sum(e, axis=1, keepdims=True)
    fused = w[:, 0:1] * cols[0]
    for j in range(1, K):
        fused = fused + w[:, j:j + 1] * cols[j]
    qn2 = jnp.sqrt(jnp.sum(q * q, axis=1, keepdims=True))
    fn2 = jnp.sqrt(jnp.sum(fused * fused, axis=1, keepdims=True))
    dot = jnp.sum(q * fused, axis=1, keepdims=True)
    cos = dot / jnp.maximum(qn2 * fn2, 1e-8)
    d = q - fused
    l2 = jnp.sqrt(jnp.sum(d * d, axis=1, keepdims=True))
    out_ref[...] = 0.5 * (1.0 - cos) + 0.5 * l2


def _fusion_call(qe, retr):
    return pl.pallas_call(
        _fusion_kernel,
        in_specs=[
            pl.BlockSpec((B, H), lambda: (0, 0)),
            pl.BlockSpec((B, K * H), lambda: (0, 0)),
        ],
        out_specs=pl.BlockSpec((B, 1), lambda: (0, 0)),
        out_shape=jax.ShapeDtypeStruct((B, 1), jnp.float32),
    )(qe, retr)


@jax.jit
def _run(query_emb, query_time, pool_emb, pool_time):
    pe = jnp.pad(pool_emb, ((0, NPAD - N), (0, 0)))
    pt = jnp.pad(pool_time, (0, NPAD - N),
                 constant_values=jnp.inf).reshape(NBLK, BLK)
    qt = query_time.reshape(B, 1)
    ri = _topk_call(query_emb, qt, pe, pt)
    retr = _sc_gather(pool_emb, ri.reshape(B * K))
    out = _fusion_call(query_emb, retr.reshape(B, K * H))
    return out.reshape(B)


def kernel(query_emb, query_time, pool_emb, pool_time):
    return _run(query_emb, query_time, pool_emb, pool_time)

# --- scband reference (transcript-rebuilt; emitter-appended) ---
"""Pipeline reference for scband-dgracl-45930380263725 (READ-ONLY COPY).

The authoritative reference and input builder live on the scoring server;
editing this copy changes nothing except your own understanding.
"""

import jax, jax.numpy as jnp
import numpy as np

LAMBDA_DECAY = 0.01
TOP_K = 7
HIDDEN_DIM = 32
GAMMA = 0.5
DELTA = 0.5


def setup_inputs(seed: int = 0) -> dict:
    key = jax.random.key(seed)
    k1, k2, k3, k4 = jax.random.split(key, 4)
    query_emb = jax.random.normal(k1, (1024, HIDDEN_DIM), dtype=jnp.float32)
    query_time = jax.random.uniform(k2, (1024,), dtype=jnp.float32)
    pool_emb = jax.random.normal(k3, (100000, HIDDEN_DIM), dtype=jnp.float32)
    pool_time = jax.random.uniform(k4, (100000,), dtype=jnp.float32)
    return {"query_emb": query_emb, "query_time": query_time, "pool_emb": pool_emb, "pool_time": pool_time}


def _normalize(x, eps=1e-12):
    n = jnp.linalg.norm(x, axis=-1, keepdims=True)
    return x / jnp.maximum(n, eps)


def _time_aware_similarity(query_emb, candidate_emb, query_time, candidate_time, lambda_decay):
    qn = _normalize(query_emb)
    cn = _normalize(candidate_emb)
    sim = jnp.matmul(qn, cn.T)
    time_diff = jnp.abs(query_time[:, None] - candidate_time[None, :])
    time_weight = jnp.exp(-lambda_decay * time_diff)
    return sim * time_weight


def reference(query_emb, query_time, pool_emb, pool_time):
    # --- retrieve_demonstrations ---
    sims = _time_aware_similarity(query_emb, pool_emb, query_time, pool_time, LAMBDA_DECAY)
    causal_mask = pool_time[None, :] < query_time[:, None]
    masked = jnp.where(causal_mask, sims, -jnp.inf)
    row_all_inf = jnp.all(jnp.isinf(masked), axis=1)
    final_sims = jnp.where(row_all_inf[:, None], sims, masked)
    top_k = min(TOP_K, pool_emb.shape[0])
    _, top_k_indices = jax.lax.top_k(final_sims, top_k)
    # gather retrieved exemplars: [B, K, H]
    retrieved = jnp.take(pool_emb, top_k_indices, axis=0)
    # --- fuse_demonstrations (CrossAttentionFusion) ---
    scale = HIDDEN_DIM ** (-0.5)
    attn_scores = jnp.matmul(query_emb[:, None, :], jnp.swapaxes(retrieved, 1, 2)) * scale
    attn_weights = jax.nn.softmax(attn_scores, axis=-1)
    fused = jnp.matmul(attn_weights, retrieved)[:, 0, :]
    # --- compute_anomaly_score ---
    qn = jnp.linalg.norm(query_emb, axis=-1)
    fn = jnp.linalg.norm(fused, axis=-1)
    cos = jnp.sum(query_emb * fused, axis=-1) / jnp.maximum(qn * fn, 1e-8)
    cos_dist = 1.0 - cos
    l2_dist = jnp.linalg.norm(query_emb - fused, axis=-1)
    scores = GAMMA * cos_dist + DELTA * l2_dist
    return scores

if __name__ == "__main__":
    import jax
    _d = setup_inputs()
    print(jax.jit(kernel)(*tuple(_d.values())))

</pallas_src>

<mosaic_0001>
#map = affine_map<(d0, d1) -> (0, 0)>
#map1 = affine_map<(d0, d1) -> (0)>
module attributes {stable_mosaic.version = 14 : i64} {
  func.func @gk(%arg0: i32, %arg1: i32, %arg2: memref<100000x32xf32, #tpu.memory_space<hbm>>, %arg3: memref<7168xi32, #tpu.memory_space<hbm>>, %arg4: memref<7168x32xf32, #tpu.memory_space<hbm>>, %arg5: memref<224xi32, #tpu.memory_space<vmem>>, %arg6: memref<224x32xf32, #tpu.memory_space<vmem>>, %arg7: memref<!tpu.dma_semaphore, #tpu.memory_space<semaphore_mem>>) attributes {dimension_semantics = [#tpu.dimension_semantics<core_parallel>, #tpu.dimension_semantics<subcore_parallel>], iteration_bounds = array<i64: 2, 16>, scalar_prefetch = 0 : i64, scratch_operands = 3 : i64, tpu.core_type = #tpu.core_type<sc_vector_subcore>, window_params = [{transform_indices = #map}, {transform_indices = #map1}, {transform_indices = #map}]} {
    %mul3A = arith.constant 2 : i32
    %mul3A_0 = arith.muli %arg1, %mul3A : i32
    %add3A = arith.addi %mul3A_0, %arg0 : i32
    %mul3A_1 = arith.constant 224 : i32
    %mul3A_2 = arith.muli %add3A, %mul3A_1 : i32
    "tpu.region"() ({
      %run_scoped3A = tpu.sem_alloc : memref<!tpu.dma_semaphore, #tpu.memory_space<semaphore_mem>>
      %dma_start3A_7 = tpu.memref_slice %arg3[%mul3A_2] : memref<7168xi32, #tpu.memory_space<hbm>> -> memref<224xi32, #tpu.memory_space<hbm>>
      %dma_start3A_8 = tpu.memref_slice %arg3[%mul3A_2] : memref<7168xi32, #tpu.memory_space<hbm>> -> memref<224xi32, #tpu.memory_space<hbm>>
      tpu.enqueue_dma source(%dma_start3A_8 : memref<224xi32, #tpu.memory_space<hbm>>) target(%arg5 : memref<224xi32, #tpu.memory_space<vmem>>) target_semaphore(%run_scoped3A : memref<!tpu.dma_semaphore, #tpu.memory_space<semaphore_mem>>)
      %dma_wait3A_9 = tpu.memref_slice %arg3[%mul3A_2] : memref<7168xi32, #tpu.memory_space<hbm>> -> memref<224xi32, #tpu.memory_space<hbm>>
      %dma_wait3A_10 = tpu.memref_slice %arg3[%mul3A_2] : memref<7168xi32, #tpu.memory_space<hbm>> -> memref<224xi32, #tpu.memory_space<hbm>>
      tpu.wait_dma2 semaphore(%run_scoped3A : memref<!tpu.dma_semaphore, #tpu.memory_space<semaphore_mem>>) src(%dma_wait3A_10 : memref<224xi32, #tpu.memory_space<hbm>>) dst(%arg5 : memref<224xi32, #tpu.memory_space<vmem>>)
      tpu.yield
    }) : () -> ()
    %dma_start3A = arith.constant 0 : i32
    %dma_start3A_3 = arith.constant 0 : i32
    %dma_start3A_4 = tpu.memref_slice %arg2[%dma_start3A, %dma_start3A_3] : memref<100000x32xf32, #tpu.memory_space<hbm>> -> memref<100000x32xf32, #tpu.memory_space<hbm>>
    tpu.enqueue_indirect_dma source(%dma_start3A_4 : memref<100000x32xf32, #tpu.memory_space<hbm>>) target(%arg6 : memref<224x32xf32, #tpu.memory_space<vmem>>) offsets(%arg5 : memref<224xi32, #tpu.memory_space<vmem>>) semaphore(%arg7 : memref<!tpu.dma_semaphore, #tpu.memory_space<semaphore_mem>>)
    %dma_wait3A = arith.constant 0 : i32
    %dma_wait3A_5 = arith.constant 0 : i32
    %dma_wait3A_6 = tpu.memref_slice %arg2[%dma_wait3A, %dma_wait3A_5] : memref<100000x32xf32, #tpu.memory_space<hbm>> -> memref<100000x32xf32, #tpu.memory_space<hbm>>
    tpu.wait_indirect_dma semaphore(%arg7 : memref<!tpu.dma_semaphore, #tpu.memory_space<semaphore_mem>>) src(%dma_wait3A_6 : memref<100000x32xf32, #tpu.memory_space<hbm>>) dst(%arg6 : memref<224x32xf32, #tpu.memory_space<vmem>>)
    "tpu.region"() ({
      %run_scoped3A = tpu.sem_alloc : memref<!tpu.dma_semaphore, #tpu.memory_space<semaphore_mem>>
      %dma_start3A_7 = arith.constant 0 : i32
      %dma_start3A_8 = tpu.memref_slice %arg4[%mul3A_2, %dma_start3A_7] : memref<7168x32xf32, #tpu.memory_space<hbm>> -> memref<224x32xf32, #tpu.memory_space<hbm>>
      %dma_start3A_9 = arith.constant 0 : i32
      %dma_start3A_10 = tpu.memref_slice %arg4[%mul3A_2, %dma_start3A_9] : memref<7168x32xf32, #tpu.memory_space<hbm>> -> memref<224x32xf32, #tpu.memory_space<hbm>>
      tpu.enqueue_dma source(%arg6 : memref<224x32xf32, #tpu.memory_space<vmem>>) target(%dma_start3A_10 : memref<224x32xf32, #tpu.memory_space<hbm>>) target_semaphore(%run_scoped3A : memref<!tpu.dma_semaphore, #tpu.memory_space<semaphore_mem>>)
      %dma_wait3A_11 = arith.constant 0 : i32
      %dma_wait3A_12 = tpu.memref_slice %arg4[%mul3A_2, %dma_wait3A_11] : memref<7168x32xf32, #tpu.memory_space<hbm>> -> memref<224x32xf32, #tpu.memory_space<hbm>>
      %dma_wait3A_13 = arith.constant 0 : i32
      %dma_wait3A_14 = tpu.memref_slice %arg4[%mul3A_2, %dma_wait3A_13] : memref<7168x32xf32, #tpu.memory_space<hbm>> -> memref<224x32xf32, #tpu.memory_space<hbm>>
      tpu.wait_dma2 semaphore(%run_scoped3A : memref<!tpu.dma_semaphore, #tpu.memory_space<semaphore_mem>>) src(%arg6 : memref<224x32xf32, #tpu.memory_space<vmem>>) dst(%dma_wait3A_14 : memref<224x32xf32, #tpu.memory_space<hbm>>)
      tpu.yield
    }) : () -> ()
    return
  }
}

module attributes {stable_mosaic.version = 14 : i64} {
  func.func @_topk_kernel(%arg0: i32, %arg1: memref<1024x32xf32, #tpu.memory_space<vmem>>, %arg2: memref<1024x1xf32, #tpu.memory_space<vmem>>, %arg3: memref<1024x32xf32, #tpu.memory_space<vmem>>, %arg4: memref<98x1024xf32, #tpu.memory_space<vmem>>, %arg5: memref<1024x7xi32, #tpu.memory_space<vmem>>, %arg6: memref<1024x7xf32, #tpu.memory_space<vmem>>, %arg7: memref<1024x7xf32, #tpu.memory_space<vmem>>, %arg8: memref<1024x1xf32, #tpu.memory_space<vmem>>, %arg9: memref<1024x1024xf32, #tpu.memory_space<vmem>>) attributes {dimension_semantics = [#tpu.dimension_semantics<arbitrary>], iteration_bounds = array<i64: 98>, scalar_prefetch = 0 : i64, scratch_operands = 4 : i64, tpu.core_type = #tpu.core_type<tc>, window_params = [{pipeline_mode = #tpu.pipeline_mode<synchronous>, transform_indices = @transform_0, window_bounds = array<i64: 1024, 32>}, {pipeline_mode = #tpu.pipeline_mode<synchronous>, transform_indices = @transform_1, window_bounds = array<i64: 1024, 1>}, {transform_indices = @transform_2, window_bounds = array<i64: 1024, 32>}, {pipeline_mode = #tpu.pipeline_mode<synchronous>, transform_indices = @transform_3, window_bounds = array<i64: 98, 1024>}, {pipeline_mode = #tpu.pipeline_mode<synchronous>, transform_indices = @transform_4, window_bounds = array<i64: 1024, 7>}]} {
    %eq3A = arith.constant 0 : i32
    %eq3A_0 = arith.cmpi eq, %arg0, %eq3A : i32
    %convert_element_type3A = arith.extui %eq3A_0 : i1 to i32
    %cond3A = arith.constant 0 : i32
    %cond3A_1 = arith.cmpi ne, %convert_element_type3A, %cond3A : i32
    scf.if %cond3A_1 {
      %broadcast_in_dim3A_107 = arith.constant -3.000000e+38 : f32
      %broadcast_in_dim3A_108 = vector.broadcast %broadcast_in_dim3A_107 : f32 to vector<1024x7xf32>
      %swap3A_109 = arith.constant 0 : index
      %swap3A_110 = arith.constant 0 : index
      %swap3A_111 = vector.load %arg6[%swap3A_109, %swap3A_110] : memref<1024x7xf32, #tpu.memory_space<vmem>>, vector<1024x7xf32>
      tpu.vector_store %arg6[%swap3A_109, %swap3A_110], %broadcast_in_dim3A_108 {strides = array<i32>} : memref<1024x7xf32, #tpu.memory_space<vmem>>, vector<1024x7xf32>,
      %broadcast_in_dim3A_112 = arith.constant 0.000000e+00 : f32
      %broadcast_in_dim3A_113 = vector.broadcast %broadcast_in_dim3A_112 : f32 to vector<1024x7xf32>
      %swap3A_114 = arith.constant 0 : index
      %swap3A_115 = arith.constant 0 : index
      %swap3A_116 = vector.load %arg7[%swap3A_114, %swap3A_115] : memref<1024x7xf32, #tpu.memory_space<vmem>>, vector<1024x7xf32>
      tpu.vector_store %arg7[%swap3A_114, %swap3A_115], %broadcast_in_dim3A_113 {strides = array<i32>} : memref<1024x7xf32, #tpu.memory_space<vmem>>, vector<1024x7xf32>,
      %get3A_117 = arith.constant 0 : index
      %get3A_118 = arith.constant 0 : index
      %get3A_119 = vector.load %arg4[%get3A_117, %get3A_118] : memref<98x1024xf32, #tpu.memory_space<vmem>>, vector<98x1024xf32>
      %reduce_min3A = vector.shape_cast %get3A_119 : vector<98x1024xf32> to vector<1x98x1024xf32>
      %reduce_min3A_120 = arith.constant dense<0x7F800000> : vector<1xf32>
      %reduce_min3A_121 = vector.multi_reduction <minimumf>, %reduce_min3A, %reduce_min3A_120 [1, 2] : vector<1x98x1024xf32> to vector<1xf32>
      %reduce_min3A_122 = vector.shape_cast %reduce_min3A_121 : vector<1xf32> to vector<1x1x1xf32>
      %reduce_min3A_123 = vector.extract %reduce_min3A_122[0, 0, 0] : f32 from vector<1x1x1xf32>
      %get3A_124 = arith.constant 0 : index
      %get3A_125 = arith.constant 0 : index
      %get3A_126 = vector.load %arg2[%get3A_124, %get3A_125] : memref<1024x1xf32, #tpu.memory_space<vmem>>, vector<1024x1xf32>
      %le3A = vector.broadcast %reduce_min3A_123 : f32 to vector<1024x1xf32>
      %le3A_127 = arith.cmpf ole, %get3A_126, %le3A : vector<1024x1xf32>
      %jit3A = arith.constant 0x7F800000 : f32
      %broadcast_in_dim3A_128 = vector.broadcast %jit3A : f32 to vector<1024x1xf32>
      %select_n3A_129 = arith.select %le3A_127, %broadcast_in_dim3A_128, %get3A_126 : vector<1024x1xi1>, vector<1024x1xf32>
      %swap3A_130 = arith.constant 0 : index
      %swap3A_131 = arith.constant 0 : index
      %swap3A_132 = vector.load %arg8[%swap3A_130, %swap3A_131] : memref<1024x1xf32, #tpu.memory_space<vmem>>, vector<1024x1xf32>
      tpu.vector_store %arg8[%swap3A_130, %swap3A_131], %select_n3A_129 {strides = array<i32>} : memref<1024x1xf32, #tpu.memory_space<vmem>>, vector<1024x1xf32>,
    } else {
    }
    %get3A = arith.constant 0 : index
    %get3A_2 = arith.constant 0 : index
    %get3A_3 = vector.load %arg1[%get3A, %get3A_2] : memref<1024x32xf32, #tpu.memory_space<vmem>>, vector<1024x32xf32>
    %mul3A = arith.mulf %get3A_3, %get3A_3 : vector<1024x32xf32>
    %reduce_sum3A = arith.constant dense<0.000000e+00> : vector<1024xf32>
    %reduce_sum3A_4 = vector.multi_reduction <add>, %mul3A, %reduce_sum3A [1] : vector<1024x32xf32> to vector<1024xf32>
    %broadcast_in_dim3A = vector.shape_cast %reduce_sum3A_4 : vector<1024xf32> to vector<1024x1xf32>
    %sqrt3A = math.sqrt %broadcast_in_dim3A : vector<1024x1xf32>
    %max3A = arith.constant 9.99999996E-13 : f32
    %max3A_5 = vector.broadcast %max3A : f32 to vector<1024x1xf32>
    %max3A_6 = arith.maximumf %sqrt3A, %max3A_5 : vector<1024x1xf32>
    %div3A = vector.broadcast %max3A_6 : vector<1024x1xf32> to vector<1024x32xf32>
    %div3A_7 = arith.divf %get3A_3, %div3A : vector<1024x32xf32>
    %get3A_8 = arith.constant 0 : index
    %get3A_9 = arith.constant 0 : index
    %get3A_10 = vector.load %arg3[%get3A_8, %get3A_9] : memref<1024x32xf32, #tpu.memory_space<vmem>>, vector<1024x32xf32>
    %mul3A_11 = arith.mulf %get3A_10, %get3A_10 : vector<1024x32xf32>
    %reduce_sum3A_12 = arith.constant dense<0.000000e+00> : vector<1024xf32>
    %reduce_sum3A_13 = vector.multi_reduction <add>, %mul3A_11, %reduce_sum3A_12 [1] : vector<1024x32xf32> to vector<1024xf32>
    %broadcast_in_dim3A_14 = vector.shape_cast %reduce_sum3A_13 : vector<1024xf32> to vector<1024x1xf32>
    %sqrt3A_15 = math.sqrt %broadcast_in_dim3A_14 : vector<1024x1xf32>
    %max3A_16 = arith.constant 9.99999996E-13 : f32
    %max3A_17 = vector.broadcast %max3A_16 : f32 to vector<1024x1xf32>
    %max3A_18 = arith.maximumf %sqrt3A_15, %max3A_17 : vector<1024x1xf32>
    %div3A_19 = vector.broadcast %max3A_18 : vector<1024x1xf32> to vector<1024x32xf32>
    %div3A_20 = arith.divf %get3A_10, %div3A_19 : vector<1024x32xf32>
    %transpose3A = tpu.transpose %div3A_20, [1, 0] : vector<1024x32xf32> -> vector<32x1024xf32>
    %dot_general3A = arith.constant dense<0.000000e+00> : vector<1024x1024xf32>
    %dot_general3A_21 = tpu.matmul %div3A_7, %transpose3A, %dot_general3A {dimension_numbers = #tpu.dot_dimension_numbers<[1], [0], [0], [1], [0, 0, 1, 1], [], []>, transpose_lhs_hint = false} : vector<1024x32xf32>, vector<32x1024xf32>, vector<1024x1024xf32> -> vector<1024x1024xf32>
    %get3A_22 = arith.index_cast %arg0 : i32 to index
    %get3A_23 = arith.constant 0 : index
    %get3A_24 = vector.load %arg4[%get3A_22, %get3A_23] : memref<98x1024xf32, #tpu.memory_space<vmem>>, vector<1x1024xf32>
    %get3A_25 = arith.constant 0 : index
    %get3A_26 = arith.constant 0 : index
    %get3A_27 = vector.load %arg2[%get3A_25, %get3A_26] : memref<1024x1xf32, #tpu.memory_space<vmem>>, vector<1024x1xf32>
    %sub3A = vector.broadcast %get3A_27 : vector<1024x1xf32> to vector<1024x1024xf32>
    %sub3A_28 = vector.broadcast %get3A_24 : vector<1x1024xf32> to vector<1024x1024xf32>
    %sub3A_29 = arith.subf %sub3A, %sub3A_28 : vector<1024x1024xf32>
    %abs3A = math.absf %sub3A_29 : vector<1024x1024xf32>
    %mul3A_30 = arith.constant -0.00999999977 : f32
    %mul3A_31 = vector.broadcast %mul3A_30 : f32 to vector<1024x1024xf32>
    %mul3A_32 = arith.mulf %mul3A_31, %abs3A : vector<1024x1024xf32>
    %exp3A = math.exp %mul3A_32 : vector<1024x1024xf32>
    %mul3A_33 = arith.mulf %dot_general3A_21, %exp3A : vector<1024x1024xf32>
    %iota3A = tpu.iota {dimensions = array<i32: 1>} : vector<1x1024xi32>
    %convert_element_type3A_34 = arith.sitofp %iota3A : vector<1x1024xi32> to vector<1x1024xf32>
    %mul3A_35 = arith.constant 1024 : i32
    %mul3A_36 = arith.muli %arg0, %mul3A_35 : i32
    %convert_element_type3A_37 = arith.sitofp %mul3A_36 : i32 to f32
    %add3A = vector.broadcast %convert_element_type3A_37 : f32 to vector<1x1024xf32>
    %add3A_38 = arith.addf %convert_element_type3A_34, %add3A : vector<1x1024xf32>
    %mul3A_39 = arith.constant 3.81469727E-6 : f32
    %mul3A_40 = vector.broadcast %mul3A_39 : f32 to vector<1x1024xf32>
    %mul3A_41 = arith.mulf %add3A_38, %mul3A_40 : vector<1x1024xf32>
    %sub3A_42 = arith.constant -4.000000e+00 : f32
    %sub3A_43 = vector.broadcast %sub3A_42 : f32 to vector<1x1024xf32>
    %sub3A_44 = arith.subf %sub3A_43, %mul3A_41 : vector<1x1024xf32>
    %get3A_45 = arith.constant 0 : index
    %get3A_46 = arith.constant 0 : index
    %get3A_47 = vector.load %arg8[%get3A_45, %get3A_46] : memref<1024x1xf32, #tpu.memory_space<vmem>>, vector<1024x1xf32>
    %lt3A = vector.broadcast %get3A_24 : vector<1x1024xf32> to vector<1024x1024xf32>
    %lt3A_48 = vector.broadcast %get3A_47 : vector<1024x1xf32> to vector<1024x1024xf32>
    %lt3A_49 = arith.cmpf olt, %lt3A, %lt3A_48 : vector<1024x1024xf32>
    %broadcast_in_dim3A_50 = vector.shape_cast %sub3A_44 : vector<1x1024xf32> to vector<1x1024xf32>
    %broadcast_in_dim3A_51 = vector.broadcast %broadcast_in_dim3A_50 : vector<1x1024xf32> to vector<1024x1024xf32>
    %select_n3A = arith.select %lt3A_49, %mul3A_33, %broadcast_in_dim3A_51 : vector<1024x1024xi1>, vector<1024x1024xf32>
    %get3A_52 = arith.constant 0 : index
    %get3A_53 = arith.constant 6 : index
    %get3A_54 = vector.load %arg6[%get3A_52, %get3A_53] : memref<1024x7xf32, #tpu.memory_space<vmem>>, vector<1024x1xf32>
    %gt3A = vector.broadcast %get3A_54 : vector<1024x1xf32> to vector<1024x1024xf32>
    %gt3A_55 = arith.cmpf ogt, %select_n3A, %gt3A : vector<1024x1024xf32>
    %convert_element_type3A_56 = arith.extui %gt3A_55 : vector<1024x1024xi1> to vector<1024x1024xi32>
    %convert_element_type3A_57 = arith.sitofp %convert_element_type3A_56 : vector<1024x1024xi32> to vector<1024x1024xf32>
    %reduce_sum3A_58 = arith.constant dense<0.000000e+00> : vector<1024xf32>
    %reduce_sum3A_59 = vector.multi_reduction <add>, %convert_element_type3A_57, %reduce_sum3A_58 [1] : vector<1024x1024xf32> to vector<1024xf32>
    %broadcast_in_dim3A_60 = vector.shape_cast %reduce_sum3A_59 : vector<1024xf32> to vector<1024x1xf32>
    %swap3A = arith.constant 0 : index
    %swap3A_61 = arith.constant 0 : index
    %swap3A_62 = vector.load %arg9[%swap3A, %swap3A_61] : memref<1024x1024xf32, #tpu.memory_space<vmem>>, vector<1024x1024xf32>
    tpu.vector_store %arg9[%swap3A, %swap3A_61], %select_n3A {strides = array<i32>} : memref<1024x1024xf32, #tpu.memory_space<vmem>>, vector<1024x1024xf32>,
    %reduce_max3A = vector.shape_cast %broadcast_in_dim3A_60 : vector<1024x1xf32> to vector<1x1024x1xf32>
    %reduce_max3A_63 = arith.constant dense<0xFF800000> : vector<1xf32>
    %reduce_max3A_64 = vector.multi_reduction <maximumf>, %reduce_max3A, %reduce_max3A_63 [1, 2] : vector<1x1024x1xf32> to vector<1xf32>
    %reduce_max3A_65 = vector.shape_cast %reduce_max3A_64 : vector<1xf32> to vector<1x1x1xf32>
    %reduce_max3A_66 = vector.extract %reduce_max3A_65[0, 0, 0] : f32 from vector<1x1x1xf32>
    %lt3A_67 = arith.constant 0.000000e+00 : f32
    %lt3A_68 = arith.cmpf olt, %lt3A_67, %reduce_max3A_66 : f32
    %convert_element_type3A_69 = arith.extui %lt3A_68 : i1 to i32
    %cond3A_70 = arith.constant 0 : i32
    %cond3A_71 = arith.cmpi ne, %convert_element_type3A_69, %cond3A_70 : i32
    scf.if %cond3A_71 {
      %get3A_107 = arith.constant 0 : index
      %get3A_108 = arith.constant 0 : index
      %get3A_109 = vector.load %arg9[%get3A_107, %get3A_108] : memref<1024x1024xf32, #tpu.memory_space<vmem>>, vector<1024x1024xf32>
      %reduce_max3A_110 = arith.constant dense<0xFF800000> : vector<1024xf32>
      %reduce_max3A_111 = vector.multi_reduction <maximumf>, %get3A_109, %reduce_max3A_110 [1] : vector<1024x1024xf32> to vector<1024xf32>
      %broadcast_in_dim3A_112 = vector.shape_cast %reduce_max3A_111 : vector<1024xf32> to vector<1024x1xf32>
      %eq3A_113 = vector.broadcast %broadcast_in_dim3A_112 : vector<1024x1xf32> to vector<1024x1024xf32>
      %eq3A_114 = arith.cmpf oeq, %get3A_109, %eq3A_113 : vector<1024x1024xf32>
      %jit3A = arith.constant 3.000000e+38 : f32
      %broadcast_in_dim3A_115 = vector.shape_cast %add3A_38 : vector<1x1024xf32> to vector<1x1024xf32>
      %broadcast_in_dim3A_116 = vector.broadcast %broadcast_in_dim3A_115 : vector<1x1024xf32> to vector<1024x1024xf32>
      %broadcast_in_dim3A_117 = vector.broadcast %jit3A : f32 to vector<1024x1024xf32>
      %select_n3A_118 = arith.select %eq3A_114, %broadcast_in_dim3A_116, %broadcast_in_dim3A_117 : vector<1024x1024xi1>, vector<1024x1024xf32>
      %reduce_min3A = arith.constant dense<0x7F800000> : vector<1024xf32>
      %reduce_min3A_119 = vector.multi_reduction <minimumf>, %select_n3A_118, %reduce_min3A [1] : vector<1024x1024xf32> to vector<1024xf32>
      %broadcast_in_dim3A_120 = vector.shape_cast %reduce_min3A_119 : vector<1024xf32> to vector<1024x1xf32>
      %jit3A_121 = arith.constant -3.000000e+38 : f32
      %broadcast_in_dim3A_122 = vector.broadcast %jit3A_121 : f32 to vector<1024x1024xf32>
      %select_n3A_123 = arith.select %eq3A_114, %broadcast_in_dim3A_122, %get3A_109 : vector<1024x1024xi1>, vector<1024x1024xf32>
      %swap3A_124 = arith.constant 0 : index
      %swap3A_125 = arith.constant 0 : index
      %swap3A_126 = vector.load %arg9[%swap3A_124, %swap3A_125] : memref<1024x1024xf32, #tpu.memory_space<vmem>>, vector<1024x1024xf32>
      tpu.vector_store %arg9[%swap3A_124, %swap3A_125], %select_n3A_123 {strides = array<i32>} : memref<1024x1024xf32, #tpu.memory_space<vmem>>, vector<1024x1024xf32>,
      %get3A_127 = arith.constant 0 : index
      %get3A_128 = arith.constant 0 : index
      %get3A_129 = vector.load %arg6[%get3A_127, %get3A_128] : memref<1024x7xf32, #tpu.memory_space<vmem>>, vector<1024x7xf32>
      %get3A_130 = arith.constant 0 : index
      %get3A_131 = arith.constant 0 : index
      %get3A_132 = vector.load %arg7[%get3A_130, %get3A_131] : memref<1024x7xf32, #tpu.memory_space<vmem>>, vector<1024x7xf32>
      %broadcast_in_dim3A_133 = arith.constant 0x7F800000 : f32
      %broadcast_in_dim3A_134 = vector.broadcast %broadcast_in_dim3A_133 : f32 to vector<1024x1xf32>
      %slice3A = vector.extract_strided_slice %get3A_129 {offsets = [0, 0], sizes = [1024, 6], strides = [1, 1]} : vector<1024x7xf32> to vector<1024x6xf32>
      %concatenate3A = tpu.concatenate %broadcast_in_dim3A_134, %slice3A in 1 : vector<1024x1xf32>, vector<1024x6xf32> -> vector<1024x7xf32>
      %slice3A_135 = vector.extract_strided_slice %get3A_132 {offsets = [0, 0], sizes = [1024, 1], strides = [1, 1]} : vector<1024x7xf32> to vector<1024x1xf32>
      %slice3A_136 = vector.extract_strided_slice %get3A_132 {offsets = [0, 0], sizes = [1024, 6], strides = [1, 1]} : vector<1024x7xf32> to vector<1024x6xf32>
      %concatenate3A_137 = tpu.concatenate %slice3A_135, %slice3A_136 in 1 : vector<1024x1xf32>, vector<1024x6xf32> -> vector<1024x7xf32>
      %ge3A = vector.broadcast %broadcast_in_dim3A_112 : vector<1024x1xf32> to vector<1024x7xf32>
      %ge3A_138 = arith.cmpf oge, %get3A_129, %ge3A : vector<1024x7xf32>
      %ge3A_139 = vector.broadcast %broadcast_in_dim3A_112 : vector<1024x1xf32> to vector<1024x7xf32>
      %ge3A_140 = arith.cmpf oge, %concatenate3A, %ge3A_139 : vector<1024x7xf32>
      %broadcast_in_dim3A_141 = vector.shape_cast %broadcast_in_dim3A_112 : vector<1024x1xf32> to vector<1024x1xf32>
      %broadcast_in_dim3A_142 = vector.broadcast %broadcast_in_dim3A_141 : vector<1024x1xf32> to vector<1024x7xf32>
      %select_n3A_143 = arith.select %ge3A_140, %broadcast_in_dim3A_142, %concatenate3A : vector<1024x7xi1>, vector<1024x7xf32>
      %select_n3A_144 = arith.select %ge3A_138, %get3A_129, %select_n3A_143 : vector<1024x7xi1>, vector<1024x7xf32>
      %swap3A_145 = arith.constant 0 : index
      %swap3A_146 = arith.constant 0 : index
      %swap3A_147 = vector.load %arg6[%swap3A_145, %swap3A_146] : memref<1024x7xf32, #tpu.memory_space<vmem>>, vector<1024x7xf32>
      tpu.vector_store %arg6[%swap3A_145, %swap3A_146], %select_n3A_144 {strides = array<i32>} : memref<1024x7xf32, #tpu.memory_space<vmem>>, vector<1024x7xf32>,
      %broadcast_in_dim3A_148 = vector.shape_cast %broadcast_in_dim3A_120 : vector<1024x1xf32> to vector<1024x1xf32>
      %broadcast_in_dim3A_149 = vector.broadcast %broadcast_in_dim3A_148 : vector<1024x1xf32> to vector<1024x7xf32>
      %select_n3A_150 = arith.select %ge3A_140, %broadcast_in_dim3A_149, %concatenate3A_137 : vector<1024x7xi1>, vector<1024x7xf32>
      %select_n3A_151 = arith.select %ge3A_138, %get3A_132, %select_n3A_150 : vector<1024x7xi1>, vector<1024x7xf32>
      %swap3A_152 = arith.constant 0 : index
      %swap3A_153 = arith.constant 0 : index
      %swap3A_154 = vector.load %arg7[%swap3A_152, %swap3A_153] : memref<1024x7xf32, #tpu.memory_space<vmem>>, vector<1024x7xf32>
      tpu.vector_store %arg7[%swap3A_152, %swap3A_153], %select_n3A_151 {strides = array<i32>} : memref<1024x7xf32, #tpu.memory_space<vmem>>, vector<1024x7xf32>,
    } else {
    }
    %lt3A_72 = arith.constant 1.000000e+00 : f32
    %lt3A_73 = arith.cmpf olt, %lt3A_72, %reduce_max3A_66 : f32
    %convert_element_type3A_74 = arith.extui %lt3A_73 : i1 to i32
    %cond3A_75 = arith.constant 0 : i32
    %cond3A_76 = arith.cmpi ne, %convert_element_type3A_74, %cond3A_75 : i32
    scf.if %cond3A_76 {
      %get3A_107 = arith.constant 0 : index
      %get3A_108 = arith.constant 0 : index
      %get3A_109 = vector.load %arg9[%get3A_107, %get3A_108] : memref<1024x1024xf32, #tpu.memory_space<vmem>>, vector<1024x1024xf32>
      %reduce_max3A_110 = arith.constant dense<0xFF800000> : vector<1024xf32>
      %reduce_max3A_111 = vector.multi_reduction <maximumf>, %get3A_109, %reduce_max3A_110 [1] : vector<1024x1024xf32> to vector<1024xf32>
      %broadcast_in_dim3A_112 = vector.shape_cast %reduce_max3A_111 : vector<1024xf32> to vector<1024x1xf32>
      %eq3A_113 = vector.broadcast %broadcast_in_dim3A_112 : vector<1024x1xf32> to vector<1024x1024xf32>
      %eq3A_114 = arith.cmpf oeq, %get3A_109, %eq3A_113 : vector<1024x1024xf32>
      %jit3A = arith.constant 3.000000e+38 : f32
      %broadcast_in_dim3A_115 = vector.shape_cast %add3A_38 : vector<1x1024xf32> to vector<1x1024xf32>
      %broadcast_in_dim3A_116 = vector.broadcast %broadcast_in_dim3A_115 : vector<1x1024xf32> to vector<1024x1024xf32>
      %broadcast_in_dim3A_117 = vector.broadcast %jit3A : f32 to vector<1024x1024xf32>
      %select_n3A_118 = arith.select %eq3A_114, %broadcast_in_dim3A_116, %broadcast_in_dim3A_117 : vector<1024x1024xi1>, vector<1024x1024xf32>
      %reduce_min3A = arith.constant dense<0x7F800000> : vector<1024xf32>
      %reduce_min3A_119 = vector.multi_reduction <minimumf>, %select_n3A_118, %reduce_min3A [1] : vector<1024x1024xf32> to vector<1024xf32>
      %broadcast_in_dim3A_120 = vector.shape_cast %reduce_min3A_119 : vector<1024xf32> to vector<1024x1xf32>
      %jit3A_121 = arith.constant -3.000000e+38 : f32
      %broadcast_in_dim3A_122 = vector.broadcast %jit3A_121 : f32 to vector<1024x1024xf32>
      %select_n3A_123 = arith.select %eq3A_114, %broadcast_in_dim3A_122, %get3A_109 : vector<1024x1024xi1>, vector<1024x1024xf32>
      %swap3A_124 = arith.constant 0 : index
      %swap3A_125 = arith.constant 0 : index
      %swap3A_126 = vector.load %arg9[%swap3A_124, %swap3A_125] : memref<1024x1024xf32, #tpu.memory_space<vmem>>, vector<1024x1024xf32>
      tpu.vector_store %arg9[%swap3A_124, %swap3A_125], %select_n3A_123 {strides = array<i32>} : memref<1024x1024xf32, #tpu.memory_space<vmem>>, vector<1024x1024xf32>,
      %get3A_127 = arith.constant 0 : index
      %get3A_128 = arith.constant 0 : index
      %get3A_129 = vector.load %arg6[%get3A_127, %get3A_128] : memref<1024x7xf32, #tpu.memory_space<vmem>>, vector<1024x7xf32>
      %get3A_130 = arith.constant 0 : index
      %get3A_131 = arith.constant 0 : index
      %get3A_132 = vector.load %arg7[%get3A_130, %get3A_131] : memref<1024x7xf32, #tpu.memory_space<vmem>>, vector<1024x7xf32>
      %broadcast_in_dim3A_133 = arith.constant 0x7F800000 : f32
      %broadcast_in_dim3A_134 = vector.broadcast %broadcast_in_dim3A_133 : f32 to vector<1024x1xf32>
      %slice3A = vector.extract_strided_slice %get3A_129 {offsets = [0, 0], sizes = [1024, 6], strides = [1, 1]} : vector<1024x7xf32> to vector<1024x6xf32>
      %concatenate3A = tpu.concatenate %broadcast_in_dim3A_134, %slice3A in 1 : vector<1024x1xf32>, vector<1024x6xf32> -> vector<1024x7xf32>
      %slice3A_135 = vector.extract_strided_slice %get3A_132 {offsets = [0, 0], sizes = [1024, 1], strides = [1, 1]} : vector<1024x7xf32> to vector<1024x1xf32>
      %slice3A_136 = vector.extract_strided_slice %get3A_132 {offsets = [0, 0], sizes = [1024, 6], strides = [1, 1]} : vector<1024x7xf32> to vector<1024x6xf32>
      %concatenate3A_137 = tpu.concatenate %slice3A_135, %slice3A_136 in 1 : vector<1024x1xf32>, vector<1024x6xf32> -> vector<1024x7xf32>
      %ge3A = vector.broadcast %broadcast_in_dim3A_112 : vector<1024x1xf32> to vector<1024x7xf32>
      %ge3A_138 = arith.cmpf oge, %get3A_129, %ge3A : vector<1024x7xf32>
      %ge3A_139 = vector.broadcast %broadcast_in_dim3A_112 : vector<1024x1xf32> to vector<1024x7xf32>
      %ge3A_140 = arith.cmpf oge, %concatenate3A, %ge3A_139 : vector<1024x7xf32>
      %broadcast_in_dim3A_141 = vector.shape_cast %broadcast_in_dim3A_112 : vector<1024x1xf32> to vector<1024x1xf32>
      %broadcast_in_dim3A_142 = vector.broadcast %broadcast_in_dim3A_141 : vector<1024x1xf32> to vector<1024x7xf32>
      %select_n3A_143 = arith.select %ge3A_140, %broadcast_in_dim3A_142, %concatenate3A : vector<1024x7xi1>, vector<1024x7xf32>
      %select_n3A_144 = arith.select %ge3A_138, %get3A_129, %select_n3A_143 : vector<1024x7xi1>, vector<1024x7xf32>
      %swap3A_145 = arith.constant 0 : index
      %swap3A_146 = arith.constant 0 : index
      %swap3A_147 = vector.load %arg6[%swap3A_145, %swap3A_146] : memref<1024x7xf32, #tpu.memory_space<vmem>>, vector<1024x7xf32>
      tpu.vector_store %arg6[%swap3A_145, %swap3A_146], %select_n3A_144 {strides = array<i32>} : memref<1024x7xf32, #tpu.memory_space<vmem>>, vector<1024x7xf32>,
      %broadcast_in_dim3A_148 = vector.shape_cast %broadcast_in_dim3A_120 : vector<1024x1xf32> to vector<1024x1xf32>
      %broadcast_in_dim3A_149 = vector.broadcast %broadcast_in_dim3A_148 : vector<1024x1xf32> to vector<1024x7xf32>
      %select_n3A_150 = arith.select %ge3A_140, %broadcast_in_dim3A_149, %concatenate3A_137 : vector<1024x7xi1>, vector<1024x7xf32>
      %select_n3A_151 = arith.select %ge3A_138, %get3A_132, %select_n3A_150 : vector<1024x7xi1>, vector<1024x7xf32>
      %swap3A_152 = arith.constant 0 : index
      %swap3A_153 = arith.constant 0 : index
      %swap3A_154 = vector.load %arg7[%swap3A_152, %swap3A_153] : memref<1024x7xf32, #tpu.memory_space<vmem>>, vector<1024x7xf32>
      tpu.vector_store %arg7[%swap3A_152, %swap3A_153], %select_n3A_151 {strides = array<i32>} : memref<1024x7xf32, #tpu.memory_space<vmem>>, vector<1024x7xf32>,
    } else {
    }
    %lt3A_77 = arith.constant 2.000000e+00 : f32
    %lt3A_78 = arith.cmpf olt, %lt3A_77, %reduce_max3A_66 : f32
    %convert_element_type3A_79 = arith.extui %lt3A_78 : i1 to i32
    %cond3A_80 = arith.constant 0 : i32
    %cond3A_81 = arith.cmpi ne, %convert_element_type3A_79, %cond3A_80 : i32
    scf.if %cond3A_81 {
      %get3A_107 = arith.constant 0 : index
      %get3A_108 = arith.constant 0 : index
      %get3A_109 = vector.load %arg9[%get3A_107, %get3A_108] : memref<1024x1024xf32, #tpu.memory_space<vmem>>, vector<1024x1024xf32>
      %reduce_max3A_110 = arith.constant dense<0xFF800000> : vector<1024xf32>
      %reduce_max3A_111 = vector.multi_reduction <maximumf>, %get3A_109, %reduce_max3A_110 [1] : vector<1024x1024xf32> to vector<1024xf32>
      %broadcast_in_dim3A_112 = vector.shape_cast %reduce_max3A_111 : vector<1024xf32> to vector<1024x1xf32>
      %eq3A_113 = vector.broadcast %broadcast_in_dim3A_112 : vector<1024x1xf32> to vector<1024x1024xf32>
      %eq3A_114 = arith.cmpf oeq, %get3A_109, %eq3A_113 : vector<1024x1024xf32>
      %jit3A = arith.constant 3.000000e+38 : f32
      %broadcast_in_dim3A_115 = vector.shape_cast %add3A_38 : vector<1x1024xf32> to vector<1x1024xf32>
      %broadcast_in_dim3A_116 = vector.broadcast %broadcast_in_dim3A_115 : vector<1x1024xf32> to vector<1024x1024xf32>
      %broadcast_in_dim3A_117 = vector.broadcast %jit3A : f32 to vector<1024x1024xf32>
      %select_n3A_118 = arith.select %eq3A_114, %broadcast_in_dim3A_116, %broadcast_in_dim3A_117 : vector<1024x1024xi1>, vector<1024x1024xf32>
      %reduce_min3A = arith.constant dense<0x7F800000> : vector<1024xf32>
      %reduce_min3A_119 = vector.multi_reduction <minimumf>, %select_n3A_118, %reduce_min3A [1] : vector<1024x1024xf32> to vector<1024xf32>
      %broadcast_in_dim3A_120 = vector.shape_cast %reduce_min3A_119 : vector<1024xf32> to vector<1024x1xf32>
      %jit3A_121 = arith.constant -3.000000e+38 : f32
      %broadcast_in_dim3A_122 = vector.broadcast %jit3A_121 : f32 to vector<1024x1024xf32>
      %select_n3A_123 = arith.select %eq3A_114, %broadcast_in_dim3A_122, %get3A_109 : vector<1024x1024xi1>, vector<1024x1024xf32>
      %swap3A_124 = arith.constant 0 : index
      %swap3A_125 = arith.constant 0 : index
      %swap3A_126 = vector.load %arg9[%swap3A_124, %swap3A_125] : memref<1024x1024xf32, #tpu.memory_space<vmem>>, vector<1024x1024xf32>
      tpu.vector_store %arg9[%swap3A_124, %swap3A_125], %select_n3A_123 {strides = array<i32>} : memref<1024x1024xf32, #tpu.memory_space<vmem>>, vector<1024x1024xf32>,
      %get3A_127 = arith.constant 0 : index
      %get3A_128 = arith.constant 0 : index
      %get3A_129 = vector.load %arg6[%get3A_127, %get3A_128] : memref<1024x7xf32, #tpu.memory_space<vmem>>, vector<1024x7xf32>
      %get3A_130 = arith.constant 0 : index
      %get3A_131 = arith.constant 0 : index
      %get3A_132 = vector.load %arg7[%get3A_130, %get3A_131] : memref<1024x7xf32, #tpu.memory_space<vmem>>, vector<1024x7xf32>
      %broadcast_in_dim3A_133 = arith.constant 0x7F800000 : f32
      %broadcast_in_dim3A_134 = vector.broadcast %broadcast_in_dim3A_133 : f32 to vector<1024x1xf32>
      %slice3A = vector.extract_strided_slice %get3A_129 {offsets = [0, 0], sizes = [1024, 6], strides = [1, 1]} : vector<1024x7xf32> to vector<1024x6xf32>
      %concatenate3A = tpu.concatenate %broadcast_in_dim3A_134, %slice3A in 1 : vector<1024x1xf32>, vector<1024x6xf32> -> vector<1024x7xf32>
      %slice3A_135 = vector.extract_strided_slice %get3A_132 {offsets = [0, 0], sizes = [1024, 1], strides = [1, 1]} : vector<1024x7xf32> to vector<1024x1xf32>
      %slice3A_136 = vector.extract_strided_slice %get3A_132 {offsets = [0, 0], sizes = [1024, 6], strides = [1, 1]} : vector<1024x7xf32> to vector<1024x6xf32>
      %concatenate3A_137 = tpu.concatenate %slice3A_135, %slice3A_136 in 1 : vector<1024x1xf32>, vector<1024x6xf32> -> vector<1024x7xf32>
      %ge3A = vector.broadcast %broadcast_in_dim3A_112 : vector<1024x1xf32> to vector<1024x7xf32>
      %ge3A_138 = arith.cmpf oge, %get3A_129, %ge3A : vector<1024x7xf32>
      %ge3A_139 = vector.broadcast %broadcast_in_dim3A_112 : vector<1024x1xf32> to vector<1024x7xf32>
      %ge3A_140 = arith.cmpf oge, %concatenate3A, %ge3A_139 : vector<1024x7xf32>
      %broadcast_in_dim3A_141 = vector.shape_cast %broadcast_in_dim3A_112 : vector<1024x1xf32> to vector<1024x1xf32>
      %broadcast_in_dim3A_142 = vector.broadcast %broadcast_in_dim3A_141 : vector<1024x1xf32> to vector<1024x7xf32>
      %select_n3A_143 = arith.select %ge3A_140, %broadcast_in_dim3A_142, %concatenate3A : vector<1024x7xi1>, vector<1024x7xf32>
      %select_n3A_144 = arith.select %ge3A_138, %get3A_129, %select_n3A_143 : vector<1024x7xi1>, vector<1024x7xf32>
      %swap3A_145 = arith.constant 0 : index
      %swap3A_146 = arith.constant 0 : index
      %swap3A_147 = vector.load %arg6[%swap3A_145, %swap3A_146] : memref<1024x7xf32, #tpu.memory_space<vmem>>, vector<1024x7xf32>
      tpu.vector_store %arg6[%swap3A_145, %swap3A_146], %select_n3A_144 {strides = array<i32>} : memref<1024x7xf32, #tpu.memory_space<vmem>>, vector<1024x7xf32>,
      %broadcast_in_dim3A_148 = vector.shape_cast %broadcast_in_dim3A_120 : vector<1024x1xf32> to vector<1024x1xf32>
      %broadcast_in_dim3A_149 = vector.broadcast %broadcast_in_dim3A_148 : vector<1024x1xf32> to vector<1024x7xf32>
      %select_n3A_150 = arith.select %ge3A_140, %broadcast_in_dim3A_149, %concatenate3A_137 : vector<1024x7xi1>, vector<1024x7xf32>
      %select_n3A_151 = arith.select %ge3A_138, %get3A_132, %select_n3A_150 : vector<1024x7xi1>, vector<1024x7xf32>
      %swap3A_152 = arith.constant 0 : index
      %swap3A_153 = arith.constant 0 : index
      %swap3A_154 = vector.load %arg7[%swap3A_152, %swap3A_153] : memref<1024x7xf32, #tpu.memory_space<vmem>>, vector<1024x7xf32>
      tpu.vector_store %arg7[%swap3A_152, %swap3A_153], %select_n3A_151 {strides = array<i32>} : memref<1024x7xf32, #tpu.memory_space<vmem>>, vector<1024x7xf32>,
    } else {
    }
    %lt3A_82 = arith.constant 3.000000e+00 : f32
    %lt3A_83 = arith.cmpf olt, %lt3A_82, %reduce_max3A_66 : f32
    %convert_element_type3A_84 = arith.extui %lt3A_83 : i1 to i32
    %cond3A_85 = arith.constant 0 : i32
    %cond3A_86 = arith.cmpi ne, %convert_element_type3A_84, %cond3A_85 : i32
    scf.if %cond3A_86 {
      %get3A_107 = arith.constant 0 : index
      %get3A_108 = arith.constant 0 : index
      %get3A_109 = vector.load %arg9[%get3A_107, %get3A_108] : memref<1024x1024xf32, #tpu.memory_space<vmem>>, vector<1024x1024xf32>
      %reduce_max3A_110 = arith.constant dense<0xFF800000> : vector<1024xf32>
      %reduce_max3A_111 = vector.multi_reduction <maximumf>, %get3A_109, %reduce_max3A_110 [1] : vector<1024x1024xf32> to vector<1024xf32>
      %broadcast_in_dim3A_112 = vector.shape_cast %reduce_max3A_111 : vector<1024xf32> to vector<1024x1xf32>
      %eq3A_113 = vector.broadcast %broadcast_in_dim3A_112 : vector<1024x1xf32> to vector<1024x1024xf32>
      %eq3A_114 = arith.cmpf oeq, %get3A_109, %eq3A_113 : vector<1024x1024xf32>
      %jit3A = arith.constant 3.000000e+38 : f32
      %broadcast_in_dim3A_115 = vector.shape_cast %add3A_38 : vector<1x1024xf32> to vector<1x1024xf32>
      %broadcast_in_dim3A_116 = vector.broadcast %broadcast_in_dim3A_115 : vector<1x1024xf32> to vector<1024x1024xf32>
      %broadcast_in_dim3A_117 = vector.broadcast %jit3A : f32 to vector<1024x1024xf32>
      %select_n3A_118 = arith.select %eq3A_114, %broadcast_in_dim3A_116, %broadcast_in_dim3A_117 : vector<1024x1024xi1>, vector<1024x1024xf32>
      %reduce_min3A = arith.constant dense<0x7F800000> : vector<1024xf32>
      %reduce_min3A_119 = vector.multi_reduction <minimumf>, %select_n3A_118, %reduce_min3A [1] : vector<1024x1024xf32> to vector<1024xf32>
      %broadcast_in_dim3A_120 = vector.shape_cast %reduce_min3A_119 : vector<1024xf32> to vector<1024x1xf32>
      %jit3A_121 = arith.constant -3.000000e+38 : f32
      %broadcast_in_dim3A_122 = vector.broadcast %jit3A_121 : f32 to vector<1024x1024xf32>
      %select_n3A_123 = arith.select %eq3A_114, %broadcast_in_dim3A_122, %get3A_109 : vector<1024x1024xi1>, vector<1024x1024xf32>
      %swap3A_124 = arith.constant 0 : index
      %swap3A_125 = arith.constant 0 : index
      %swap3A_126 = vector.load %arg9[%swap3A_124, %swap3A_125] : memref<1024x1024xf32, #tpu.memory_space<vmem>>, vector<1024x1024xf32>
      tpu.vector_store %arg9[%swap3A_124, %swap3A_125], %select_n3A_123 {strides = array<i32>} : memref<1024x1024xf32, #tpu.memory_space<vmem>>, vector<1024x1024xf32>,
      %get3A_127 = arith.constant 0 : index
      %get3A_128 = arith.constant 0 : index
      %get3A_129 = vector.load %arg6[%get3A_127, %get3A_128] : memref<1024x7xf32, #tpu.memory_space<vmem>>, vector<1024x7xf32>
      %get3A_130 = arith.constant 0 : index
      %get3A_131 = arith.constant 0 : index
      %get3A_132 = vector.load %arg7[%get3A_130, %get3A_131] : memref<1024x7xf32, #tpu.memory_space<vmem>>, vector<1024x7xf32>
      %broadcast_in_dim3A_133 = arith.constant 0x7F800000 : f32
      %broadcast_in_dim3A_134 = vector.broadcast %broadcast_in_dim3A_133 : f32 to vector<1024x1xf32>
      %slice3A = vector.extract_strided_slice %get3A_129 {offsets = [0, 0], sizes = [1024, 6], strides = [1, 1]} : vector<1024x7xf32> to vector<1024x6xf32>
      %concatenate3A = tpu.concatenate %broadcast_in_dim3A_134, %slice3A in 1 : vector<1024x1xf32>, vector<1024x6xf32> -> vector<1024x7xf32>
      %slice3A_135 = vector.extract_strided_slice %get3A_132 {offsets = [0, 0], sizes = [1024, 1], strides = [1, 1]} : vector<1024x7xf32> to vector<1024x1xf32>
      %slice3A_136 = vector.extract_strided_slice %get3A_132 {offsets = [0, 0], sizes = [1024, 6], strides = [1, 1]} : vector<1024x7xf32> to vector<1024x6xf32>
      %concatenate3A_137 = tpu.concatenate %slice3A_135, %slice3A_136 in 1 : vector<1024x1xf32>, vector<1024x6xf32> -> vector<1024x7xf32>
      %ge3A = vector.broadcast %broadcast_in_dim3A_112 : vector<1024x1xf32> to vector<1024x7xf32>
      %ge3A_138 = arith.cmpf oge, %get3A_129, %ge3A : vector<1024x7xf32>
      %ge3A_139 = vector.broadcast %broadcast_in_dim3A_112 : vector<1024x1xf32> to vector<1024x7xf32>
      %ge3A_140 = arith.cmpf oge, %concatenate3A, %ge3A_139 : vector<1024x7xf32>
      %broadcast_in_dim3A_141 = vector.shape_cast %broadcast_in_dim3A_112 : vector<1024x1xf32> to vector<1024x1xf32>
      %broadcast_in_dim3A_142 = vector.broadcast %broadcast_in_dim3A_141 : vector<1024x1xf32> to vector<1024x7xf32>
      %select_n3A_143 = arith.select %ge3A_140, %broadcast_in_dim3A_142, %concatenate3A : vector<1024x7xi1>, vector<1024x7xf32>
      %select_n3A_144 = arith.select %ge3A_138, %get3A_129, %select_n3A_143 : vector<1024x7xi1>, vector<1024x7xf32>
      %swap3A_145 = arith.constant 0 : index
      %swap3A_146 = arith.constant 0 : index
      %swap3A_147 = vector.load %arg6[%swap3A_145, %swap3A_146] : memref<1024x7xf32, #tpu.memory_space<vmem>>, vector<1024x7xf32>
      tpu.vector_store %arg6[%swap3A_145, %swap3A_146], %select_n3A_144 {strides = array<i32>} : memref<1024x7xf32, #tpu.memory_space<vmem>>, vector<1024x7xf32>,
      %broadcast_in_dim3A_148 = vector.shape_cast %broadcast_in_dim3A_120 : vector<1024x1xf32> to vector<1024x1xf32>
      %broadcast_in_dim3A_149 = vector.broadcast %broadcast_in_dim3A_148 : vector<1024x1xf32> to vector<1024x7xf32>
      %select_n3A_150 = arith.select %ge3A_140, %broadcast_in_dim3A_149, %concatenate3A_137 : vector<1024x7xi1>, vector<1024x7xf32>
      %select_n3A_151 = arith.select %ge3A_138, %get3A_132, %select_n3A_150 : vector<1024x7xi1>, vector<1024x7xf32>
      %swap3A_152 = arith.constant 0 : index
      %swap3A_153 = arith.constant 0 : index
      %swap3A_154 = vector.load %arg7[%swap3A_152, %swap3A_153] : memref<1024x7xf32, #tpu.memory_space<vmem>>, vector<1024x7xf32>
      tpu.vector_store %arg7[%swap3A_152, %swap3A_153], %select_n3A_151 {strides = array<i32>} : memref<1024x7xf32, #tpu.memory_space<vmem>>, vector<1024x7xf32>,
    } else {
    }
    %lt3A_87 = arith.constant 4.000000e+00 : f32
    %lt3A_88 = arith.cmpf olt, %lt3A_87, %reduce_max3A_66 : f32
    %convert_element_type3A_89 = arith.extui %lt3A_88 : i1 to i32
    %cond3A_90 = arith.constant 0 : i32
    %cond3A_91 = arith.cmpi ne, %convert_element_type3A_89, %cond3A_90 : i32
    scf.if %cond3A_91 {
      %get3A_107 = arith.constant 0 : index
      %get3A_108 = arith.constant 0 : index
      %get3A_109 = vector.load %arg9[%get3A_107, %get3A_108] : memref<1024x1024xf32, #tpu.memory_space<vmem>>, vector<1024x1024xf32>
      %reduce_max3A_110 = arith.constant dense<0xFF800000> : vector<1024xf32>
      %reduce_max3A_111 = vector.multi_reduction <maximumf>, %get3A_109, %reduce_max3A_110 [1] : vector<1024x1024xf32> to vector<1024xf32>
      %broadcast_in_dim3A_112 = vector.shape_cast %reduce_max3A_111 : vector<1024xf32> to vector<1024x1xf32>
      %eq3A_113 = vector.broadcast %broadcast_in_dim3A_112 : vector<1024x1xf32> to vector<1024x1024xf32>
      %eq3A_114 = arith.cmpf oeq, %get3A_109, %eq3A_113 : vector<1024x1024xf32>
      %jit3A = arith.constant 3.000000e+38 : f32
      %broadcast_in_dim3A_115 = vector.shape_cast %add3A_38 : vector<1x1024xf32> to vector<1x1024xf32>
      %broadcast_in_dim3A_116 = vector.broadcast %broadcast_in_dim3A_115 : vector<1x1024xf32> to vector<1024x1024xf32>
      %broadcast_in_dim3A_117 = vector.broadcast %jit3A : f32 to vector<1024x1024xf32>
      %select_n3A_118 = arith.select %eq3A_114, %broadcast_in_dim3A_116, %broadcast_in_dim3A_117 : vector<1024x1024xi1>, vector<1024x1024xf32>
      %reduce_min3A = arith.constant dense<0x7F800000> : vector<1024xf32>
      %reduce_min3A_119 = vector.multi_reduction <minimumf>, %select_n3A_118, %reduce_min3A [1] : vector<1024x1024xf32> to vector<1024xf32>
      %broadcast_in_dim3A_120 = vector.shape_cast %reduce_min3A_119 : vector<1024xf32> to vector<1024x1xf32>
      %jit3A_121 = arith.constant -3.000000e+38 : f32
      %broadcast_in_dim3A_122 = vector.broadcast %jit3A_121 : f32 to vector<1024x1024xf32>
      %select_n3A_123 = arith.select %eq3A_114, %broadcast_in_dim3A_122, %get3A_109 : vector<1024x1024xi1>, vector<1024x1024xf32>
      %swap3A_124 = arith.constant 0 : index
      %swap3A_125 = arith.constant 0 : index
      %swap3A_126 = vector.load %arg9[%swap3A_124, %swap3A_125] : memref<1024x1024xf32, #tpu.memory_space<vmem>>, vector<1024x1024xf32>
      tpu.vector_store %arg9[%swap3A_124, %swap3A_125], %select_n3A_123 {strides = array<i32>} : memref<1024x1024xf32, #tpu.memory_space<vmem>>, vector<1024x1024xf32>,
      %get3A_127 = arith.constant 0 : index
      %get3A_128 = arith.constant 0 : index
      %get3A_129 = vector.load %arg6[%get3A_127, %get3A_128] : memref<1024x7xf32, #tpu.memory_space<vmem>>, vector<1024x7xf32>
      %get3A_130 = arith.constant 0 : index
      %get3A_131 = arith.constant 0 : index
      %get3A_132 = vector.load %arg7[%get3A_130, %get3A_131] : memref<1024x7xf32, #tpu.memory_space<vmem>>, vector<1024x7xf32>
      %broadcast_in_dim3A_133 = arith.constant 0x7F800000 : f32
      %broadcast_in_dim3A_134 = vector.broadcast %broadcast_in_dim3A_133 : f32 to vector<1024x1xf32>
      %slice3A = vector.extract_strided_slice %get3A_129 {offsets = [0, 0], sizes = [1024, 6], strides = [1, 1]} : vector<1024x7xf32> to vector<1024x6xf32>
      %concatenate3A = tpu.concatenate %broadcast_in_dim3A_134, %slice3A in 1 : vector<1024x1xf32>, vector<1024x6xf32> -> vector<1024x7xf32>
      %slice3A_135 = vector.extract_strided_slice %get3A_132 {offsets = [0, 0], sizes = [1024, 1], strides = [1, 1]} : vector<1024x7xf32> to vector<1024x1xf32>
      %slice3A_136 = vector.extract_strided_slice %get3A_132 {offsets = [0, 0], sizes = [1024, 6], strides = [1, 1]} : vector<1024x7xf32> to vector<1024x6xf32>
      %concatenate3A_137 = tpu.concatenate %slice3A_135, %slice3A_136 in 1 : vector<1024x1xf32>, vector<1024x6xf32> -> vector<1024x7xf32>
      %ge3A = vector.broadcast %broadcast_in_dim3A_112 : vector<1024x1xf32> to vector<1024x7xf32>
      %ge3A_138 = arith.cmpf oge, %get3A_129, %ge3A : vector<1024x7xf32>
      %ge3A_139 = vector.broadcast %broadcast_in_dim3A_112 : vector<1024x1xf32> to vector<1024x7xf32>
      %ge3A_140 = arith.cmpf oge, %concatenate3A, %ge3A_139 : vector<1024x7xf32>
      %broadcast_in_dim3A_141 = vector.shape_cast %broadcast_in_dim3A_112 : vector<1024x1xf32> to vector<1024x1xf32>
      %broadcast_in_dim3A_142 = vector.broadcast %broadcast_in_dim3A_141 : vector<1024x1xf32> to vector<1024x7xf32>
      %select_n3A_143 = arith.select %ge3A_140, %broadcast_in_dim3A_142, %concatenate3A : vector<1024x7xi1>, vector<1024x7xf32>
      %select_n3A_144 = arith.select %ge3A_138, %get3A_129, %select_n3A_143 : vector<1024x7xi1>, vector<1024x7xf32>
      %swap3A_145 = arith.constant 0 : index
      %swap3A_146 = arith.constant 0 : index
      %swap3A_147 = vector.load %arg6[%swap3A_145, %swap3A_146] : memref<1024x7xf32, #tpu.memory_space<vmem>>, vector<1024x7xf32>
      tpu.vector_store %arg6[%swap3A_145, %swap3A_146], %select_n3A_144 {strides = array<i32>} : memref<1024x7xf32, #tpu.memory_space<vmem>>, vector<1024x7xf32>,
      %broadcast_in_dim3A_148 = vector.shape_cast %broadcast_in_dim3A_120 : vector<1024x1xf32> to vector<1024x1xf32>
      %broadcast_in_dim3A_149 = vector.broadcast %broadcast_in_dim3A_148 : vector<1024x1xf32> to vector<1024x7xf32>
      %select_n3A_150 = arith.select %ge3A_140, %broadcast_in_dim3A_149, %concatenate3A_137 : vector<1024x7xi1>, vector<1024x7xf32>
      %select_n3A_151 = arith.select %ge3A_138, %get3A_132, %select_n3A_150 : vector<1024x7xi1>, vector<1024x7xf32>
      %swap3A_152 = arith.constant 0 : index
      %swap3A_153 = arith.constant 0 : index
      %swap3A_154 = vector.load %arg7[%swap3A_152, %swap3A_153] : memref<1024x7xf32, #tpu.memory_space<vmem>>, vector<1024x7xf32>
      tpu.vector_store %arg7[%swap3A_152, %swap3A_153], %select_n3A_151 {strides = array<i32>} : memref<1024x7xf32, #tpu.memory_space<vmem>>, vector<1024x7xf32>,
    } else {
    }
    %lt3A_92 = arith.constant 5.000000e+00 : f32
    %lt3A_93 = arith.cmpf olt, %lt3A_92, %reduce_max3A_66 : f32
    %convert_element_type3A_94 = arith.extui %lt3A_93 : i1 to i32
    %cond3A_95 = arith.constant 0 : i32
    %cond3A_96 = arith.cmpi ne, %convert_element_type3A_94, %cond3A_95 : i32
    scf.if %cond3A_96 {
      %get3A_107 = arith.constant 0 : index
      %get3A_108 = arith.constant 0 : index
      %get3A_109 = vector.load %arg9[%get3A_107, %get3A_108] : memref<1024x1024xf32, #tpu.memory_space<vmem>>, vector<1024x1024xf32>
      %reduce_max3A_110 = arith.constant dense<0xFF800000> : vector<1024xf32>
      %reduce_max3A_111 = vector.multi_reduction <maximumf>, %get3A_109, %reduce_max3A_110 [1] : vector<1024x1024xf32> to vector<1024xf32>
      %broadcast_in_dim3A_112 = vector.shape_cast %reduce_max3A_111 : vector<1024xf32> to vector<1024x1xf32>
      %eq3A_113 = vector.broadcast %broadcast_in_dim3A_112 : vector<1024x1xf32> to vector<1024x1024xf32>
      %eq3A_114 = arith.cmpf oeq, %get3A_109, %eq3A_113 : vector<1024x1024xf32>
      %jit3A = arith.constant 3.000000e+38 : f32
      %broadcast_in_dim3A_115 = vector.shape_cast %add3A_38 : vector<1x1024xf32> to vector<1x1024xf32>
      %broadcast_in_dim3A_116 = vector.broadcast %broadcast_in_dim3A_115 : vector<1x1024xf32> to vector<1024x1024xf32>
      %broadcast_in_dim3A_117 = vector.broadcast %jit3A : f32 to vector<1024x1024xf32>
      %select_n3A_118 = arith.select %eq3A_114, %broadcast_in_dim3A_116, %broadcast_in_dim3A_117 : vector<1024x1024xi1>, vector<1024x1024xf32>
      %reduce_min3A = arith.constant dense<0x7F800000> : vector<1024xf32>
      %reduce_min3A_119 = vector.multi_reduction <minimumf>, %select_n3A_118, %reduce_min3A [1] : vector<1024x1024xf32> to vector<1024xf32>
      %broadcast_in_dim3A_120 = vector.shape_cast %reduce_min3A_119 : vector<1024xf32> to vector<1024x1xf32>
      %jit3A_121 = arith.constant -3.000000e+38 : f32
      %broadcast_in_dim3A_122 = vector.broadcast %jit3A_121 : f32 to vector<1024x1024xf32>
      %select_n3A_123 = arith.select %eq3A_114, %broadcast_in_dim3A_122, %get3A_109 : vector<1024x1024xi1>, vector<1024x1024xf32>
      %swap3A_124 = arith.constant 0 : index
      %swap3A_125 = arith.constant 0 : index
      %swap3A_126 = vector.load %arg9[%swap3A_124, %swap3A_125] : memref<1024x1024xf32, #tpu.memory_space<vmem>>, vector<1024x1024xf32>
      tpu.vector_store %arg9[%swap3A_124, %swap3A_125], %select_n3A_123 {strides = array<i32>} : memref<1024x1024xf32, #tpu.memory_space<vmem>>, vector<1024x1024xf32>,
      %get3A_127 = arith.constant 0 : index
      %get3A_128 = arith.constant 0 : index
      %get3A_129 = vector.load %arg6[%get3A_127, %get3A_128] : memref<1024x7xf32, #tpu.memory_space<vmem>>, vector<1024x7xf32>
      %get3A_130 = arith.constant 0 : index
      %get3A_131 = arith.constant 0 : index
      %get3A_132 = vector.load %arg7[%get3A_130, %get3A_131] : memref<1024x7xf32, #tpu.memory_space<vmem>>, vector<1024x7xf32>
      %broadcast_in_dim3A_133 = arith.constant 0x7F800000 : f32
      %broadcast_in_dim3A_134 = vector.broadcast %broadcast_in_dim3A_133 : f32 to vector<1024x1xf32>
      %slice3A = vector.extract_strided_slice %get3A_129 {offsets = [0, 0], sizes = [1024, 6], strides = [1, 1]} : vector<1024x7xf32> to vector<1024x6xf32>
      %concatenate3A = tpu.concatenate %broadcast_in_dim3A_134, %slice3A in 1 : vector<1024x1xf32>, vector<1024x6xf32> -> vector<1024x7xf32>
      %slice3A_135 = vector.extract_strided_slice %get3A_132 {offsets = [0, 0], sizes = [1024, 1], strides = [1, 1]} : vector<1024x7xf32> to vector<1024x1xf32>
      %slice3A_136 = vector.extract_strided_slice %get3A_132 {offsets = [0, 0], sizes = [1024, 6], strides = [1, 1]} : vector<1024x7xf32> to vector<1024x6xf32>
      %concatenate3A_137 = tpu.concatenate %slice3A_135, %slice3A_136 in 1 : vector<1024x1xf32>, vector<1024x6xf32> -> vector<1024x7xf32>
      %ge3A = vector.broadcast %broadcast_in_dim3A_112 : vector<1024x1xf32> to vector<1024x7xf32>
      %ge3A_138 = arith.cmpf oge, %get3A_129, %ge3A : vector<1024x7xf32>
      %ge3A_139 = vector.broadcast %broadcast_in_dim3A_112 : vector<1024x1xf32> to vector<1024x7xf32>
      %ge3A_140 = arith.cmpf oge, %concatenate3A, %ge3A_139 : vector<1024x7xf32>
      %broadcast_in_dim3A_141 = vector.shape_cast %broadcast_in_dim3A_112 : vector<1024x1xf32> to vector<1024x1xf32>
      %broadcast_in_dim3A_142 = vector.broadcast %broadcast_in_dim3A_141 : vector<1024x1xf32> to vector<1024x7xf32>
      %select_n3A_143 = arith.select %ge3A_140, %broadcast_in_dim3A_142, %concatenate3A : vector<1024x7xi1>, vector<1024x7xf32>
      %select_n3A_144 = arith.select %ge3A_138, %get3A_129, %select_n3A_143 : vector<1024x7xi1>, vector<1024x7xf32>
      %swap3A_145 = arith.constant 0 : index
      %swap3A_146 = arith.constant 0 : index
      %swap3A_147 = vector.load %arg6[%swap3A_145, %swap3A_146] : memref<1024x7xf32, #tpu.memory_space<vmem>>, vector<1024x7xf32>
      tpu.vector_store %arg6[%swap3A_145, %swap3A_146], %select_n3A_144 {strides = array<i32>} : memref<1024x7xf32, #tpu.memory_space<vmem>>, vector<1024x7xf32>,
      %broadcast_in_dim3A_148 = vector.shape_cast %broadcast_in_dim3A_120 : vector<1024x1xf32> to vector<1024x1xf32>
      %broadcast_in_dim3A_149 = vector.broadcast %broadcast_in_dim3A_148 : vector<1024x1xf32> to vector<1024x7xf32>
      %select_n3A_150 = arith.select %ge3A_140, %broadcast_in_dim3A_149, %concatenate3A_137 : vector<1024x7xi1>, vector<1024x7xf32>
      %select_n3A_151 = arith.select %ge3A_138, %get3A_132, %select_n3A_150 : vector<1024x7xi1>, vector<1024x7xf32>
      %swap3A_152 = arith.constant 0 : index
      %swap3A_153 = arith.constant 0 : index
      %swap3A_154 = vector.load %arg7[%swap3A_152, %swap3A_153] : memref<1024x7xf32, #tpu.memory_space<vmem>>, vector<1024x7xf32>
      tpu.vector_store %arg7[%swap3A_152, %swap3A_153], %select_n3A_151 {strides = array<i32>} : memref<1024x7xf32, #tpu.memory_space<vmem>>, vector<1024x7xf32>,
    } else {
    }
    %lt3A_97 = arith.constant 6.000000e+00 : f32
    %lt3A_98 = arith.cmpf olt, %lt3A_97, %reduce_max3A_66 : f32
    %convert_element_type3A_99 = arith.extui %lt3A_98 : i1 to i32
    %cond3A_100 = arith.constant 0 : i32
    %cond3A_101 = arith.cmpi ne, %convert_element_type3A_99, %cond3A_100 : i32
    scf.if %cond3A_101 {
      %get3A_107 = arith.constant 0 : index
      %get3A_108 = arith.constant 0 : index
      %get3A_109 = vector.load %arg9[%get3A_107, %get3A_108] : memref<1024x1024xf32, #tpu.memory_space<vmem>>, vector<1024x1024xf32>
      %reduce_max3A_110 = arith.constant dense<0xFF800000> : vector<1024xf32>
      %reduce_max3A_111 = vector.multi_reduction <maximumf>, %get3A_109, %reduce_max3A_110 [1] : vector<1024x1024xf32> to vector<1024xf32>
      %broadcast_in_dim3A_112 = vector.shape_cast %reduce_max3A_111 : vector<1024xf32> to vector<1024x1xf32>
      %eq3A_113 = vector.broadcast %broadcast_in_dim3A_112 : vector<1024x1xf32> to vector<1024x1024xf32>
      %eq3A_114 = arith.cmpf oeq, %get3A_109, %eq3A_113 : vector<1024x1024xf32>
      %jit3A = arith.constant 3.000000e+38 : f32
      %broadcast_in_dim3A_115 = vector.shape_cast %add3A_38 : vector<1x1024xf32> to vector<1x1024xf32>
      %broadcast_in_dim3A_116 = vector.broadcast %broadcast_in_dim3A_115 : vector<1x1024xf32> to vector<1024x1024xf32>
      %broadcast_in_dim3A_117 = vector.broadcast %jit3A : f32 to vector<1024x1024xf32>
      %select_n3A_118 = arith.select %eq3A_114, %broadcast_in_dim3A_116, %broadcast_in_dim3A_117 : vector<1024x1024xi1>, vector<1024x1024xf32>
      %reduce_min3A = arith.constant dense<0x7F800000> : vector<1024xf32>
      %reduce_min3A_119 = vector.multi_reduction <minimumf>, %select_n3A_118, %reduce_min3A [1] : vector<1024x1024xf32> to vector<1024xf32>
      %broadcast_in_dim3A_120 = vector.shape_cast %reduce_min3A_119 : vector<1024xf32> to vector<1024x1xf32>
      %jit3A_121 = arith.constant -3.000000e+38 : f32
      %broadcast_in_dim3A_122 = vector.broadcast %jit3A_121 : f32 to vector<1024x1024xf32>
      %select_n3A_123 = arith.select %eq3A_114, %broadcast_in_dim3A_122, %get3A_109 : vector<1024x1024xi1>, vector<1024x1024xf32>
      %swap3A_124 = arith.constant 0 : index
      %swap3A_125 = arith.constant 0 : index
      %swap3A_126 = vector.load %arg9[%swap3A_124, %swap3A_125] : memref<1024x1024xf32, #tpu.memory_space<vmem>>, vector<1024x1024xf32>
      tpu.vector_store %arg9[%swap3A_124, %swap3A_125], %select_n3A_123 {strides = array<i32>} : memref<1024x1024xf32, #tpu.memory_space<vmem>>, vector<1024x1024xf32>,
      %get3A_127 = arith.constant 0 : index
      %get3A_128 = arith.constant 0 : index
      %get3A_129 = vector.load %arg6[%get3A_127, %get3A_128] : memref<1024x7xf32, #tpu.memory_space<vmem>>, vector<1024x7xf32>
      %get3A_130 = arith.constant 0 : index
      %get3A_131 = arith.constant 0 : index
      %get3A_132 = vector.load %arg7[%get3A_130, %get3A_131] : memref<1024x7xf32, #tpu.memory_space<vmem>>, vector<1024x7xf32>
      %broadcast_in_dim3A_133 = arith.constant 0x7F800000 : f32
      %broadcast_in_dim3A_134 = vector.broadcast %broadcast_in_dim3A_133 : f32 to vector<1024x1xf32>
      %slice3A = vector.extract_strided_slice %get3A_129 {offsets = [0, 0], sizes = [1024, 6], strides = [1, 1]} : vector<1024x7xf32> to vector<1024x6xf32>
      %concatenate3A = tpu.concatenate %broadcast_in_dim3A_134, %slice3A in 1 : vector<1024x1xf32>, vector<1024x6xf32> -> vector<1024x7xf32>
      %slice3A_135 = vector.extract_strided_slice %get3A_132 {offsets = [0, 0], sizes = [1024, 1], strides = [1, 1]} : vector<1024x7xf32> to vector<1024x1xf32>
      %slice3A_136 = vector.extract_strided_slice %get3A_132 {offsets = [0, 0], sizes = [1024, 6], strides = [1, 1]} : vector<1024x7xf32> to vector<1024x6xf32>
      %concatenate3A_137 = tpu.concatenate %slice3A_135, %slice3A_136 in 1 : vector<1024x1xf32>, vector<1024x6xf32> -> vector<1024x7xf32>
      %ge3A = vector.broadcast %broadcast_in_dim3A_112 : vector<1024x1xf32> to vector<1024x7xf32>
      %ge3A_138 = arith.cmpf oge, %get3A_129, %ge3A : vector<1024x7xf32>
      %ge3A_139 = vector.broadcast %broadcast_in_dim3A_112 : vector<1024x1xf32> to vector<1024x7xf32>
      %ge3A_140 = arith.cmpf oge, %concatenate3A, %ge3A_139 : vector<1024x7xf32>
      %broadcast_in_dim3A_141 = vector.shape_cast %broadcast_in_dim3A_112 : vector<1024x1xf32> to vector<1024x1xf32>
      %broadcast_in_dim3A_142 = vector.broadcast %broadcast_in_dim3A_141 : vector<1024x1xf32> to vector<1024x7xf32>
      %select_n3A_143 = arith.select %ge3A_140, %broadcast_in_dim3A_142, %concatenate3A : vector<1024x7xi1>, vector<1024x7xf32>
      %select_n3A_144 = arith.select %ge3A_138, %get3A_129, %select_n3A_143 : vector<1024x7xi1>, vector<1024x7xf32>
      %swap3A_145 = arith.constant 0 : index
      %swap3A_146 = arith.constant 0 : index
      %swap3A_147 = vector.load %arg6[%swap3A_145, %swap3A_146] : memref<1024x7xf32, #tpu.memory_space<vmem>>, vector<1024x7xf32>
      tpu.vector_store %arg6[%swap3A_145, %swap3A_146], %select_n3A_144 {strides = array<i32>} : memref<1024x7xf32, #tpu.memory_space<vmem>>, vector<1024x7xf32>,
      %broadcast_in_dim3A_148 = vector.shape_cast %broadcast_in_dim3A_120 : vector<1024x1xf32> to vector<1024x1xf32>
      %broadcast_in_dim3A_149 = vector.broadcast %broadcast_in_dim3A_148 : vector<1024x1xf32> to vector<1024x7xf32>
      %select_n3A_150 = arith.select %ge3A_140, %broadcast_in_dim3A_149, %concatenate3A_137 : vector<1024x7xi1>, vector<1024x7xf32>
      %select_n3A_151 = arith.select %ge3A_138, %get3A_132, %select_n3A_150 : vector<1024x7xi1>, vector<1024x7xf32>
      %swap3A_152 = arith.constant 0 : index
      %swap3A_153 = arith.constant 0 : index
      %swap3A_154 = vector.load %arg7[%swap3A_152, %swap3A_153] : memref<1024x7xf32, #tpu.memory_space<vmem>>, vector<1024x7xf32>
      tpu.vector_store %arg7[%swap3A_152, %swap3A_153], %select_n3A_151 {strides = array<i32>} : memref<1024x7xf32, #tpu.memory_space<vmem>>, vector<1024x7xf32>,
    } else {
    }
    %eq3A_102 = arith.constant 97 : i32
    %eq3A_103 = arith.cmpi eq, %arg0, %eq3A_102 : i32
    %convert_element_type3A_104 = arith.extui %eq3A_103 : i1 to i32
    %cond3A_105 = arith.constant 0 : i32
    %cond3A_106 = arith.cmpi ne, %convert_element_type3A_104, %cond3A_105 : i32
    scf.if %cond3A_106 {
      %get3A_107 = arith.constant 0 : index
      %get3A_108 = arith.constant 0 : index
      %get3A_109 = vector.load %arg7[%get3A_107, %get3A_108] : memref<1024x7xf32, #tpu.memory_space<vmem>>, vector<1024x7xf32>
      %max3A_110 = arith.constant 0.000000e+00 : f32
      %max3A_111 = vector.broadcast %max3A_110 : f32 to vector<1024x7xf32>
      %max3A_112 = arith.maximumf %get3A_109, %max3A_111 : vector<1024x7xf32>
      %min3A = arith.constant 9.999900e+04 : f32
      %min3A_113 = vector.broadcast %min3A : f32 to vector<1024x7xf32>
      %min3A_114 = arith.minimumf %max3A_112, %min3A_113 : vector<1024x7xf32>
      %add3A_115 = arith.constant 5.000000e-01 : f32
      %add3A_116 = vector.broadcast %add3A_115 : f32 to vector<1024x7xf32>
      %add3A_117 = arith.addf %min3A_114, %add3A_116 : vector<1024x7xf32>
      %convert_element_type3A_118 = arith.fptosi %add3A_117 : vector<1024x7xf32> to vector<1024x7xi32>
      %swap3A_119 = arith.constant 0 : index
      %swap3A_120 = arith.constant 0 : index
      %swap3A_121 = vector.load %arg5[%swap3A_119, %swap3A_120] : memref<1024x7xi32, #tpu.memory_space<vmem>>, vector<1024x7xi32>
      tpu.vector_store %arg5[%swap3A_119, %swap3A_120], %convert_element_type3A_118 {strides = array<i32>} : memref<1024x7xi32, #tpu.memory_space<vmem>>, vector<1024x7xi32>,
    } else {
    }
    return
  }
  func.func @transform_0(%arg0: i32) -> (i32, i32) {
    %c0_i32 = arith.constant 0 : i32
    %c0_i32_0 = arith.constant 0 : i32
    %c0_i32_1 = arith.constant 0 : i32
    return %c0_i32, %c0_i32_0 : i32, i32
  }
  func.func @transform_1(%arg0: i32) -> (i32, i32) {
    %c0_i32 = arith.constant 0 : i32
    %c0_i32_0 = arith.constant 0 : i32
    %c0_i32_1 = arith.constant 0 : i32
    return %c0_i32, %c0_i32_0 : i32, i32
  }
  func.func @transform_2(%arg0: i32) -> (i32, i32) {
    %c0_i32 = arith.constant 0 : i32
    %c0_i32_0 = arith.constant 0 : i32
    return %arg0, %c0_i32 : i32, i32
  }
  func.func @transform_3(%arg0: i32) -> (i32, i32) {
    %c0_i32 = arith.constant 0 : i32
    %c0_i32_0 = arith.constant 0 : i32
    %c0_i32_1 = arith.constant 0 : i32
    return %c0_i32, %c0_i32_0 : i32, i32
  }
  func.func @transform_4(%arg0: i32) -> (i32, i32) {
    %c0_i32 = arith.constant 0 : i32
    %c0_i32_0 = arith.constant 0 : i32
    %c0_i32_1 = arith.constant 0 : i32
    return %c0_i32, %c0_i32_0 : i32, i32
  }
}

module attributes {stable_mosaic.version = 14 : i64} {
  func.func @_fusion_kernel(%arg0: memref<1024x32xf32, #tpu.memory_space<vmem>>, %arg1: memref<1024x224xf32, #tpu.memory_space<vmem>>, %arg2: memref<1024x1xf32, #tpu.memory_space<vmem>>) attributes {dimension_semantics = [], scalar_prefetch = 0 : i64, scratch_operands = 0 : i64, tpu.core_type = #tpu.core_type<tc>} {
    %get3A = arith.constant 0 : index
    %get3A_0 = arith.constant 0 : index
    %get3A_1 = vector.load %arg0[%get3A, %get3A_0] : memref<1024x32xf32, #tpu.memory_space<vmem>>, vector<1024x32xf32>
    %get3A_2 = arith.constant 0 : index
    %get3A_3 = arith.constant 0 : index
    %get3A_4 = vector.load %arg1[%get3A_2, %get3A_3] : memref<1024x224xf32, #tpu.memory_space<vmem>>, vector<1024x224xf32>
    %slice3A = vector.extract_strided_slice %get3A_4 {offsets = [0, 0], sizes = [1024, 32], strides = [1, 1]} : vector<1024x224xf32> to vector<1024x32xf32>
    %slice3A_5 = vector.extract_strided_slice %get3A_4 {offsets = [0, 32], sizes = [1024, 32], strides = [1, 1]} : vector<1024x224xf32> to vector<1024x32xf32>
    %slice3A_6 = vector.extract_strided_slice %get3A_4 {offsets = [0, 64], sizes = [1024, 32], strides = [1, 1]} : vector<1024x224xf32> to vector<1024x32xf32>
    %slice3A_7 = vector.extract_strided_slice %get3A_4 {offsets = [0, 96], sizes = [1024, 32], strides = [1, 1]} : vector<1024x224xf32> to vector<1024x32xf32>
    %slice3A_8 = vector.extract_strided_slice %get3A_4 {offsets = [0, 128], sizes = [1024, 32], strides = [1, 1]} : vector<1024x224xf32> to vector<1024x32xf32>
    %slice3A_9 = vector.extract_strided_slice %get3A_4 {offsets = [0, 160], sizes = [1024, 32], strides = [1, 1]} : vector<1024x224xf32> to vector<1024x32xf32>
    %slice3A_10 = vector.extract_strided_slice %get3A_4 {offsets = [0, 192], sizes = [1024, 32], strides = [1, 1]} : vector<1024x224xf32> to vector<1024x32xf32>
    %mul3A = arith.mulf %get3A_1, %slice3A : vector<1024x32xf32>
    %reduce_sum3A = arith.constant dense<0.000000e+00> : vector<1024xf32>
    %reduce_sum3A_11 = vector.multi_reduction <add>, %mul3A, %reduce_sum3A [1] : vector<1024x32xf32> to vector<1024xf32>
    %broadcast_in_dim3A = vector.shape_cast %reduce_sum3A_11 : vector<1024xf32> to vector<1024x1xf32>
    %mul3A_12 = arith.constant 0.176776692 : f32
    %mul3A_13 = vector.broadcast %mul3A_12 : f32 to vector<1024x1xf32>
    %mul3A_14 = arith.mulf %broadcast_in_dim3A, %mul3A_13 : vector<1024x1xf32>
    %mul3A_15 = arith.mulf %get3A_1, %slice3A_5 : vector<1024x32xf32>
    %reduce_sum3A_16 = arith.constant dense<0.000000e+00> : vector<1024xf32>
    %reduce_sum3A_17 = vector.multi_reduction <add>, %mul3A_15, %reduce_sum3A_16 [1] : vector<1024x32xf32> to vector<1024xf32>
    %broadcast_in_dim3A_18 = vector.shape_cast %reduce_sum3A_17 : vector<1024xf32> to vector<1024x1xf32>
    %mul3A_19 = arith.constant 0.176776692 : f32
    %mul3A_20 = vector.broadcast %mul3A_19 : f32 to vector<1024x1xf32>
    %mul3A_21 = arith.mulf %broadcast_in_dim3A_18, %mul3A_20 : vector<1024x1xf32>
    %mul3A_22 = arith.mulf %get3A_1, %slice3A_6 : vector<1024x32xf32>
    %reduce_sum3A_23 = arith.constant dense<0.000000e+00> : vector<1024xf32>
    %reduce_sum3A_24 = vector.multi_reduction <add>, %mul3A_22, %reduce_sum3A_23 [1] : vector<1024x32xf32> to vector<1024xf32>
    %broadcast_in_dim3A_25 = vector.shape_cast %reduce_sum3A_24 : vector<1024xf32> to vector<1024x1xf32>
    %mul3A_26 = arith.constant 0.176776692 : f32
    %mul3A_27 = vector.broadcast %mul3A_26 : f32 to vector<1024x1xf32>
    %mul3A_28 = arith.mulf %broadcast_in_dim3A_25, %mul3A_27 : vector<1024x1xf32>
    %mul3A_29 = arith.mulf %get3A_1, %slice3A_7 : vector<1024x32xf32>
    %reduce_sum3A_30 = arith.constant dense<0.000000e+00> : vector<1024xf32>
    %reduce_sum3A_31 = vector.multi_reduction <add>, %mul3A_29, %reduce_sum3A_30 [1] : vector<1024x32xf32> to vector<1024xf32>
    %broadcast_in_dim3A_32 = vector.shape_cast %reduce_sum3A_31 : vector<1024xf32> to vector<1024x1xf32>
    %mul3A_33 = arith.constant 0.176776692 : f32
    %mul3A_34 = vector.broadcast %mul3A_33 : f32 to vector<1024x1xf32>
    %mul3A_35 = arith.mulf %broadcast_in_dim3A_32, %mul3A_34 : vector<1024x1xf32>
    %mul3A_36 = arith.mulf %get3A_1, %slice3A_8 : vector<1024x32xf32>
    %reduce_sum3A_37 = arith.constant dense<0.000000e+00> : vector<1024xf32>
    %reduce_sum3A_38 = vector.multi_reduction <add>, %mul3A_36, %reduce_sum3A_37 [1] : vector<1024x32xf32> to vector<1024xf32>
    %broadcast_in_dim3A_39 = vector.shape_cast %reduce_sum3A_38 : vector<1024xf32> to vector<1024x1xf32>
    %mul3A_40 = arith.constant 0.176776692 : f32
    %mul3A_41 = vector.broadcast %mul3A_40 : f32 to vector<1024x1xf32>
    %mul3A_42 = arith.mulf %broadcast_in_dim3A_39, %mul3A_41 : vector<1024x1xf32>
    %mul3A_43 = arith.mulf %get3A_1, %slice3A_9 : vector<1024x32xf32>
    %reduce_sum3A_44 = arith.constant dense<0.000000e+00> : vector<1024xf32>
    %reduce_sum3A_45 = vector.multi_reduction <add>, %mul3A_43, %reduce_sum3A_44 [1] : vector<1024x32xf32> to vector<1024xf32>
    %broadcast_in_dim3A_46 = vector.shape_cast %reduce_sum3A_45 : vector<1024xf32> to vector<1024x1xf32>
    %mul3A_47 = arith.constant 0.176776692 : f32
    %mul3A_48 = vector.broadcast %mul3A_47 : f32 to vector<1024x1xf32>
    %mul3A_49 = arith.mulf %broadcast_in_dim3A_46, %mul3A_48 : vector<1024x1xf32>
    %mul3A_50 = arith.mulf %get3A_1, %slice3A_10 : vector<1024x32xf32>
    %reduce_sum3A_51 = arith.constant dense<0.000000e+00> : vector<1024xf32>
    %reduce_sum3A_52 = vector.multi_reduction <add>, %mul3A_50, %reduce_sum3A_51 [1] : vector<1024x32xf32> to vector<1024xf32>
    %broadcast_in_dim3A_53 = vector.shape_cast %reduce_sum3A_52 : vector<1024xf32> to vector<1024x1xf32>
    %mul3A_54 = arith.constant 0.176776692 : f32
    %mul3A_55 = vector.broadcast %mul3A_54 : f32 to vector<1024x1xf32>
    %mul3A_56 = arith.mulf %broadcast_in_dim3A_53, %mul3A_55 : vector<1024x1xf32>
    %concatenate3A = tpu.concatenate %mul3A_14, %mul3A_21, %mul3A_28, %mul3A_35, %mul3A_42, %mul3A_49, %mul3A_56 in 1 : vector<1024x1xf32>, vector<1024x1xf32>, vector<1024x1xf32>, vector<1024x1xf32>, vector<1024x1xf32>, vector<1024x1xf32>, vector<1024x1xf32> -> vector<1024x7xf32>
    %reduce_max3A = arith.constant dense<0xFF800000> : vector<1024xf32>
    %reduce_max3A_57 = vector.multi_reduction <maximumf>, %concatenate3A, %reduce_max3A [1] : vector<1024x7xf32> to vector<1024xf32>
    %broadcast_in_dim3A_58 = vector.shape_cast %reduce_max3A_57 : vector<1024xf32> to vector<1024x1xf32>
    %sub3A = vector.broadcast %broadcast_in_dim3A_58 : vector<1024x1xf32> to vector<1024x7xf32>
    %sub3A_59 = arith.subf %concatenate3A, %sub3A : vector<1024x7xf32>
    %exp3A = math.exp %sub3A_59 : vector<1024x7xf32>
    %reduce_sum3A_60 = arith.constant dense<0.000000e+00> : vector<1024xf32>
    %reduce_sum3A_61 = vector.multi_reduction <add>, %exp3A, %reduce_sum3A_60 [1] : vector<1024x7xf32> to vector<1024xf32>
    %broadcast_in_dim3A_62 = vector.shape_cast %reduce_sum3A_61 : vector<1024xf32> to vector<1024x1xf32>
    %div3A = vector.broadcast %broadcast_in_dim3A_62 : vector<1024x1xf32> to vector<1024x7xf32>
    %div3A_63 = arith.divf %exp3A, %div3A : vector<1024x7xf32>
    %slice3A_64 = vector.extract_strided_slice %div3A_63 {offsets = [0, 0], sizes = [1024, 1], strides = [1, 1]} : vector<1024x7xf32> to vector<1024x1xf32>
    %mul3A_65 = vector.broadcast %slice3A_64 : vector<1024x1xf32> to vector<1024x32xf32>
    %mul3A_66 = arith.mulf %mul3A_65, %slice3A : vector<1024x32xf32>
    %slice3A_67 = vector.extract_strided_slice %div3A_63 {offsets = [0, 1], sizes = [1024, 1], strides = [1, 1]} : vector<1024x7xf32> to vector<1024x1xf32>
    %mul3A_68 = vector.broadcast %slice3A_67 : vector<1024x1xf32> to vector<1024x32xf32>
    %mul3A_69 = arith.mulf %mul3A_68, %slice3A_5 : vector<1024x32xf32>
    %add3A = arith.addf %mul3A_66, %mul3A_69 : vector<1024x32xf32>
    %slice3A_70 = vector.extract_strided_slice %div3A_63 {offsets = [0, 2], sizes = [1024, 1], strides = [1, 1]} : vector<1024x7xf32> to vector<1024x1xf32>
    %mul3A_71 = vector.broadcast %slice3A_70 : vector<1024x1xf32> to vector<1024x32xf32>
    %mul3A_72 = arith.mulf %mul3A_71, %slice3A_6 : vector<1024x32xf32>
    %add3A_73 = arith.addf %add3A, %mul3A_72 : vector<1024x32xf32>
    %slice3A_74 = vector.extract_strided_slice %div3A_63 {offsets = [0, 3], sizes = [1024, 1], strides = [1, 1]} : vector<1024x7xf32> to vector<1024x1xf32>
    %mul3A_75 = vector.broadcast %slice3A_74 : vector<1024x1xf32> to vector<1024x32xf32>
    %mul3A_76 = arith.mulf %mul3A_75, %slice3A_7 : vector<1024x32xf32>
    %add3A_77 = arith.addf %add3A_73, %mul3A_76 : vector<1024x32xf32>
    %slice3A_78 = vector.extract_strided_slice %div3A_63 {offsets = [0, 4], sizes = [1024, 1], strides = [1, 1]} : vector<1024x7xf32> to vector<1024x1xf32>
    %mul3A_79 = vector.broadcast %slice3A_78 : vector<1024x1xf32> to vector<1024x32xf32>
    %mul3A_80 = arith.mulf %mul3A_79, %slice3A_8 : vector<1024x32xf32>
    %add3A_81 = arith.addf %add3A_77, %mul3A_80 : vector<1024x32xf32>
    %slice3A_82 = vector.extract_strided_slice %div3A_63 {offsets = [0, 5], sizes = [1024, 1], strides = [1, 1]} : vector<1024x7xf32> to vector<1024x1xf32>
    %mul3A_83 = vector.broadcast %slice3A_82 : vector<1024x1xf32> to vector<1024x32xf32>
    %mul3A_84 = arith.mulf %mul3A_83, %slice3A_9 : vector<1024x32xf32>
    %add3A_85 = arith.addf %add3A_81, %mul3A_84 : vector<1024x32xf32>
    %slice3A_86 = vector.extract_strided_slice %div3A_63 {offsets = [0, 6], sizes = [1024, 1], strides = [1, 1]} : vector<1024x7xf32> to vector<1024x1xf32>
    %mul3A_87 = vector.broadcast %slice3A_86 : vector<1024x1xf32> to vector<1024x32xf32>
    %mul3A_88 = arith.mulf %mul3A_87, %slice3A_10 : vector<1024x32xf32>
    %add3A_89 = arith.addf %add3A_85, %mul3A_88 : vector<1024x32xf32>
    %mul3A_90 = arith.mulf %get3A_1, %get3A_1 : vector<1024x32xf32>
    %reduce_sum3A_91 = arith.constant dense<0.000000e+00> : vector<1024xf32>
    %reduce_sum3A_92 = vector.multi_reduction <add>, %mul3A_90, %reduce_sum3A_91 [1] : vector<1024x32xf32> to vector<1024xf32>
    %broadcast_in_dim3A_93 = vector.shape_cast %reduce_sum3A_92 : vector<1024xf32> to vector<1024x1xf32>
    %sqrt3A = math.sqrt %broadcast_in_dim3A_93 : vector<1024x1xf32>
    %mul3A_94 = arith.mulf %add3A_89, %add3A_89 : vector<1024x32xf32>
    %reduce_sum3A_95 = arith.constant dense<0.000000e+00> : vector<1024xf32>
    %reduce_sum3A_96 = vector.multi_reduction <add>, %mul3A_94, %reduce_sum3A_95 [1] : vector<1024x32xf32> to vector<1024xf32>
    %broadcast_in_dim3A_97 = vector.shape_cast %reduce_sum3A_96 : vector<1024xf32> to vector<1024x1xf32>
    %sqrt3A_98 = math.sqrt %broadcast_in_dim3A_97 : vector<1024x1xf32>
    %mul3A_99 = arith.mulf %get3A_1, %add3A_89 : vector<1024x32xf32>
    %reduce_sum3A_100 = arith.constant dense<0.000000e+00> : vector<1024xf32>
    %reduce_sum3A_101 = vector.multi_reduction <add>, %mul3A_99, %reduce_sum3A_100 [1] : vector<1024x32xf32> to vector<1024xf32>
    %broadcast_in_dim3A_102 = vector.shape_cast %reduce_sum3A_101 : vector<1024xf32> to vector<1024x1xf32>
    %mul3A_103 = arith.mulf %sqrt3A, %sqrt3A_98 : vector<1024x1xf32>
    %max3A = arith.constant 9.99999993E-9 : f32
    %max3A_104 = vector.broadcast %max3A : f32 to vector<1024x1xf32>
    %max3A_105 = arith.maximumf %mul3A_103, %max3A_104 : vector<1024x1xf32>
    %div3A_106 = arith.divf %broadcast_in_dim3A_102, %max3A_105 : vector<1024x1xf32>
    %sub3A_107 = arith.subf %get3A_1, %add3A_89 : vector<1024x32xf32>
    %mul3A_108 = arith.mulf %sub3A_107, %sub3A_107 : vector<1024x32xf32>
    %reduce_sum3A_109 = arith.constant dense<0.000000e+00> : vector<1024xf32>
    %reduce_sum3A_110 = vector.multi_reduction <add>, %mul3A_108, %reduce_sum3A_109 [1] : vector<1024x32xf32> to vector<1024xf32>
    %broadcast_in_dim3A_111 = vector.shape_cast %reduce_sum3A_110 : vector<1024xf32> to vector<1024x1xf32>
    %sqrt3A_112 = math.sqrt %broadcast_in_dim3A_111 : vector<1024x1xf32>
    %sub3A_113 = arith.constant 1.000000e+00 : f32
    %sub3A_114 = vector.broadcast %sub3A_113 : f32 to vector<1024x1xf32>
    %sub3A_115 = arith.subf %sub3A_114, %div3A_106 : vector<1024x1xf32>
    %mul3A_116 = arith.constant 5.000000e-01 : f32
    %mul3A_117 = vector.broadcast %mul3A_116 : f32 to vector<1024x1xf32>
    %mul3A_118 = arith.mulf %mul3A_117, %sub3A_115 : vector<1024x1xf32>
    %mul3A_119 = arith.constant 5.000000e-01 : f32
    %mul3A_120 = vector.broadcast %mul3A_119 : f32 to vector<1024x1xf32>
    %mul3A_121 = arith.mulf %mul3A_120, %sqrt3A_112 : vector<1024x1xf32>
    %add3A_122 = arith.addf %mul3A_118, %mul3A_121 : vector<1024x1xf32>
    %swap3A = arith.constant 0 : index
    %swap3A_123 = arith.constant 0 : index
    %swap3A_124 = vector.load %arg2[%swap3A, %swap3A_123] : memref<1024x1xf32, #tpu.memory_space<vmem>>, vector<1024x1xf32>
    tpu.vector_store %arg2[%swap3A, %swap3A_123], %add3A_122 {strides = array<i32>} : memref<1024x1xf32, #tpu.memory_space<vmem>>, vector<1024x1xf32>,
    return
  }
}

</mosaic_0001>

<sc_bundles>
// kernel: _run.5.cloned.1.call-start
scs
__scs_entry_jumppad:
0x0: {  	(pc) =	sbr.rel $0x88, $3  }
0x1: {  	(tag) =	ssettag $0x0;
	lr =	simm.s32 $0x1  }
0x2: {  	[smem:$0x3F9D] =	sst lr;
	_ =	strace $0xD0000000  }
0x3: {  	_ = 	snop  }
0x4: {  	_ = 	snop  }
0x5: {  	_ = 	snop  }
0x6: {  	_ = 	snop  }
0x7: {  	_ = 	snop  }
__scs_overlays_trampoline_lowered:
0x8: {  	[smem:$0x3FAC] =	sst s0  }
0x9: {  	[smem:$0x3FAD] =	sst s1  }
0xa: {  	[smem:$0x3FAE] =	sst s2  }
0xb: {  	[smem:$0x3FAF] =	sst s3  }
0xc: {  	[smem:$0x3FB0] =	sst s4  }
0xd: {  	[smem:$0x3FB1] =	sst s5  }
0xe: {  	[smem:$0x3FB2] =	sst s6  }
0xf: {  	[smem:$0x3FB3] =	sst s7  }
0x10: {  	[smem:$0x3FB4] =	sst s8  }
0x11: {  	[smem:$0x3FB5] =	sst s9;
	s0 =	simm.s32 @!p0 $0x0  }
0x12: {  	s1 =	sld [smem:$0x3F9B];
	s0 =	simm.s32 @p0 $0x1  }
0x13: {  	[smem:$0x3FB6] =	sst s0;
	s0 =	simm.s32 @!p1 $0x0  }
0x14: {  	s2 =	sld [smem:$0x3F9A];
	s0 =	simm.s32 @p1 $0x1  }
0x15: {  	[smem:$0x3FB7] =	sst s0;
	s0 =	simm.s32 @!p2 $0x0  }
0x16: {  	s3 =	sld [smem:$0x3FDB];
	s0 =	simm.s32 @p2 $0x1  }
0x17: {  	s4 =	simm.s32 $0x1BF5;
	[smem:$0x3FB9] =	sst s0  }
0x18: {  	s0 =	sld [smem:$0x3F9C];
	_ =	swait.ge [sflag:s4], $0x0  }
0x19: {  	s7 =	sld [smem:$0x3F9D]  }
0x1a: {  	s8 =	sadd.s32 $0xFFFFE003, lr  }
0x1b: {  	s9 =	sadd.s32 $0xFFFFFEF7, lr;
	s5 =	simm.s32 $0xFFFFFFFF;
	p2 =	slt.u32 s8, $0xFFFFF086  }
0x1c: {  	p1 =	slt.u32 s9, $0xF7A;
	s5 =	simm.s32 @!p2 $0x0  }
0x1d: {  	s5 =	simm.s32 @p1 $0x1;
	p0 =	seq.s32 s7, s2  }
0x1e: {  	s7 =	smul.u32 @!p0 $0xF7A, s2;
	p2 =	seq.s32 @!p0 s5, $0x0  }
0x1f: {  	s9 =	smul.u32 $0xF7A, s1;
	s8 =	simm.s32 @!p0 $0x1BF5;
	p2 =	por !p2, p0  }
0x20: {  	[sflag:s8] =	ssyncset.s32 @!p0 $0xFFFFF086;
	s6 =	sadd.s32 @!p0 s3, s7;
	s7 =	simm.s32 @!p0 $0x108  }
0x21: {  	s3 =	sadd.s32 s3, s9;
	s6 =	sadd.s32 @!p0 $0x88, s6;
	s7 =	simm.s32 @p2 $0x1082  }
0x22: {  	[simem:s7], [sflag:s8] =	dma.local @!p0 [hbm:s6], $0xF7A  }
0x23: {  	s9 =	sor.u32 $0xD0000000, s2;
	s6 =	simm.s32 $0x108;
	_ =	swait.ge @!p0 [sflag:s8], $0x0  }
0x24: {  	s3 =	sadd.s32 $0x88, s3;
	s6 =	simm.s32 @!p1 $0x1082;
	[sflag:s4] =	ssyncset.s32 $0xFFFFF086  }
0x25: {  	[simem:s6], [sflag:s4] =	dma.local [hbm:s3], $0xF7A  }
0x26: {  	[smem:$0x3F9D] =	sst s1;
	(tag) =	ssettag s2;
	_ =	strace s9  }
0x27: {  	s1 =	sld [smem:$0x3FAD]  }
0x28: {  	s2 =	sld [smem:$0x3FAE]  }
0x29: {  	s4 =	sld [smem:$0x3FB0]  }
0x2a: {  	p0 =	seq.s32 s5, $0x0;
	s5 =	sld [smem:$0x3FB1]  }
0x2b: {  	s6 =	sld [smem:$0x3FB2]  }
0x2c: {  	s7 =	sld [smem:$0x3FB3]  }
0x2d: {  	s3 =	simm.s32 $0x108;
	s8 =	sld [smem:$0x3FB4]  }
0x2e: {  	s3 =	simm.s32 @!p0 $0x1082;
	s9 =	sld [smem:$0x3FB5]  }
0x2f: {  	lr =	sadd.s32 s0, s3;
	s0 =	sld [smem:$0x3FAC]  }
0x30: {  	s3 =	sld [smem:$0x3FAF]  }
0x31: {  	[smem:$0x3FB8] =	sst s10  }
0x32: {  	s10 =	sld [smem:$0x3FB6];
	_ =	sdelay $0x3  }
0x33: {  	p0 =	seq.s32 s10, $0x1;
	s10 =	sld [smem:$0x3FB8];
	_ =	sdelay $0x3  }
0x34: {  	[smem:$0x3FB8] =	sst s10  }
0x35: {  	s10 =	sld [smem:$0x3FB7];
	_ =	sdelay $0x3  }
0x36: {  	p1 =	seq.s32 s10, $0x1;
	s10 =	sld [smem:$0x3FB8];
	_ =	sdelay $0x3  }
0x37: {  	[smem:$0x3FB8] =	sst s10  }
0x38: {  	s10 =	sld [smem:$0x3FB9]  }
0x39: {  	_ = 	snop;
	(pc) =	sbr.ind lr, $3  }
0x3a: {  	_ = 	snop  }
0x3b: {  	_ = 	snop  }
0x3c: {  	p2 =	seq.s32 s10, $0x1;
	s10 =	sld [smem:$0x3FB8]  }
0x3d: {  	_ =	shalt  }
0x3e: {  	_ =	shalt  }
0x3f: {  	_ =	shalt  }
0x40: {  	_ =	shalt  }
0x41: {  	_ =	shalt  }
0x42: {  	_ =	shalt  }
0x43: {  	_ =	shalt  }
0x44: {  	_ =	shalt  }
0x45: {  	_ =	shalt  }
0x46: {  	_ =	shalt  }
0x47: {  	_ =	shalt  }
0x48: {  	_ =	shalt  }
0x49: {  	_ =	shalt  }
0x4a: {  	_ =	shalt  }
0x4b: {  	_ =	shalt  }
0x4c: {  	_ =	shalt  }
0x4d: {  	_ =	shalt  }
0x4e: {  	_ =	shalt  }
0x4f: {  	_ =	shalt  }
0x50: {  	_ =	shalt  }
0x51: {  	_ =	shalt  }
0x52: {  	_ =	shalt  }
0x53: {  	_ =	shalt  }
0x54: {  	_ =	shalt  }
0x55: {  	_ =	shalt  }
0x56: {  	_ =	shalt  }
0x57: {  	_ =	shalt  }
0x58: {  	_ =	shalt  }
0x59: {  	_ =	shalt  }
0x5a: {  	_ =	shalt  }
0x5b: {  	_ =	shalt  }
0x5c: {  	_ =	shalt  }
0x5d: {  	_ =	shalt  }
0x5e: {  	_ =	shalt  }
0x5f: {  	_ =	shalt  }
0x60: {  	_ =	shalt  }
0x61: {  	_ =	shalt  }
0x62: {  	_ =	shalt  }
0x63: {  	_ =	shalt  }
0x64: {  	_ =	shalt  }
0x65: {  	_ =	shalt  }
0x66: {  	_ =	shalt  }
0x67: {  	_ =	shalt  }
0x68: {  	_ =	shalt  }
0x69: {  	_ =	shalt  }
0x6a: {  	_ =	shalt  }
0x6b: {  	_ =	shalt  }
0x6c: {  	_ =	shalt  }
0x6d: {  	_ =	shalt  }
0x6e: {  	_ =	shalt  }
0x6f: {  	_ =	shalt  }
0x70: {  	_ =	shalt  }
0x71: {  	_ =	shalt  }
0x72: {  	_ =	shalt  }
0x73: {  	_ =	shalt  }
0x74: {  	_ =	shalt  }
0x75: {  	_ =	shalt  }
0x76: {  	_ =	shalt  }
0x77: {  	_ =	shalt  }
0x78: {  	_ =	shalt  }
0x79: {  	_ =	shalt  }
0x7a: {  	_ =	shalt  }
0x7b: {  	_ =	shalt  }
0x7c: {  	_ =	shalt  }
0x7d: {  	_ =	shalt  }
0x7e: {  	_ =	shalt  }
0x7f: {  	_ =	shalt  }
0x80: {  	_ =	shalt  }
0x81: {  	_ =	shalt  }
0x82: {  	_ =	shalt  }
0x83: {  	_ =	shalt  }
0x84: {  	_ =	shalt  }
0x85: {  	_ =	shalt  }
0x86: {  	_ =	shalt  }
0x87: {  	_ =	shalt  }
.Lfunc_end0:
.L_simem_size_0:
called_computation_lowered:
.L_overlay_start_0:
0x88: {  	s2 =	sld [smem:$0x3FD9]  }
0x89: {  	s3 =	sld [smem:$0x3FFE];
	_ =	sdelay $0x1  }
0x8a: {  	s1 =	srdreg.scid  }
0x8b: {  	s0 =	sand.u32 $0x1, s1  }
0x8c: {  	s16 =	sshll.u32 s0, $0xA;
	s2 =	sadd.s32 s3, s2  }
0x8d: {  	s2 =	sadd.s32 s2, s16  }
0x8e: {  	[smem:$0x3FC4] =	sst s2  }
0x8f: {  	_ = 	snop  }
0x90: {  	(tm) =	ssettm $0x1  }
0x91: {  	s17 =	sld [smem:$0x3FFB];
	_ =	sdelay $0x3  }
0x92: {  	_ =	strace s17  }
0x93: {  	s2 =	sld [smem:$0x3FFC];
	_ =	sdelay $0x3  }
0x94: {  	_ =	strace s2  }
0x95: {  	s2 =	sld [smem:$0x3FFD];
	_ =	sdelay $0x3  }
0x96: {  	_ =	strace s2  }
0x97: {  	_ =	strace $0x8FFFFFFF  }
0x98: {  	s18 =	sld [smem:$0x3FDB];
	_ =	sdelay $0x1  }
0x99: {  	s19 =	simm.s32 $_scs_section_size  }
0x9a: {  	s4 =	simm.s32 $_size__tile_overlayer_lowered;
	s5 =	simm.s32 $_tile_overlayer_lowered  }
0x9b: {  	s22 =	simm.s32 $0x1BFF;
	s21 =	sshll.u32 s5, $0x1;
	s2 =	sadd.s32 s19, s18  }
0x9c: {  	s6 =	simm.s32 $0x0;
	s20 =	sshll.u32 s4, $0x1;
	s4 =	sadd.s32 s21, s2  }
0x9d: {  	[timem:s6], [sflag:s22] =	dma.local [hbm:s4], s20  }
0x9e: {  	_ =	swait.ge [sflag:s22], s20  }
0x9f: {  	s3 =	ssub.s32 $0x0, s20;
	[sflag:s22] =	ssyncset.done $0x0  }
0xa0: {  	[sflag:s22] =	ssyncadd.s32 s3;
	_ =	sdelay $0x1  }
0xa1: {  	s23 =	simm.s32 $0x1B8B  }
0xa2: {  	_ =	swait.ge [sflag:s23], $0x1  }
0xa3: {  	[sflag:s23] =	ssyncset.done $0x0  }
0xa4: {  	s25 =	simm.s32 $0x1B8E;
	s24 =	sld [smem:$0x3FFE];
	[sflag:s23] =	ssyncadd.s32 $0xFFFFFFFF  }
0xa5: {  	s26 =	simm.s32 $execute0_lowered;
	[smem:$0x3FD2] =	sst s25  }
0xa6: {  	s4 =	sshll.u32 s26, $0x1;
	_ =	strace $0x80000046;
	[dreg:$0x1] =	wrdreg $0xFFFFFFFF  }
0xa7: {  	s28 =	simm.s32 $_size_execute0_lowered;
	s2 =	sadd.s32 s2, s4;
	[dreg:$0x0] =	wrdreg $0x0  }
0xa8: {  	s4 =	sshll.u32 s28, $0x1;
	[dreg:$0x2] =	wrdreg s2  }
0xa9: {  	[dreg:$0x3] =	wrdreg s4  }
0xaa: {  	[dreg:$0x4] =	wrdreg $0xC0  }
0xab: {  	_ =	task [dreg:s6], $0x5FFFF  }
0xac: {  	[dreg:$0x1] =	wrdreg $0xFFFFFFFF  }
0xad: {  	[dreg:$0x0] =	wrdreg $0x60  }
0xae: {  	[dreg:$0x2] =	wrdreg s24  }
0xaf: {  	[dreg:$0x3] =	wrdreg $0x9  }
0xb0: {  	_ =	task.clear_ibuf [dreg:s6], $0x4FFFF;
	_ =	strace $0x90000046  }
0xb1: {  	s29 =	simm.s32 $0x9;
	_ =	strace $0x80000048  }
0xb2: {  	_ =	swait.ge [sflag:s29], $0x1  }
0xb3: {  	[sflag:s29] =	ssyncadd.s32 $0xFFFFFFFF  }
0xb4: {  	_ =	strace $0x90000048  }
0xb5: {  	_ =	sfence  }
0xb6: {  	s30 =	sld [smem:$0x0];
	_ =	sdelay $0x2  }
0xb7: {  	s31 =	sshll.u32 s1, $0xD;
	s1 =	sshrl.u32 s1, $0x2  }
0xb8: {  	s3 =	sand.u32 $0x4000, s31;
	s1 =	sadd.s32 s1, s30  }
0xb9: {  	s0 =	sor.u32 s3, s0;
	s1 =	sshll.u32 s1, $0x11  }
0xba: {  	s0 =	sor.u32 s1, s0  }
0xbb: {  	s0 =	sadd.s32 $0x8F2B, s0  }
0xbc: {  	[sflag:s0] =	ssyncadd.remote.s32 $0x1  }
0xbd: {  	_ =	sfence.sel $0xFFFF  }
0xbe: {  	[dreg:$0x0] =	wrdreg $0xFFFFFFFF;
	(pc) =	sbr.abs _section_cstart, $3  }
0xbf: {  	[dreg:$0x1] =	wrdreg $0xFFFFFFFF  }
0xc0: {  	_ =	task.clear_ibuf [dreg:s6], $0x2FFFF;
	_ =	strace $0x9FFFFFFF  }
0xc1: {  	(tm) =	ssettm $0x7FFFFFFF  }
tec
execute0_lowered:
.L_overlay_start_1:
0x0: {  	(tag) =	ssettag $0x1  }
0x1: {  	s1 =	srdreg.scid;
	s0 =	stileid.u32  }
0x2: {  	s6 =	sand.u32 $0x1, s1;
	s30 =	sshll.u32 s0, $0x1  }
0x3: {  	s8 =	rddreg [dreg:$0x0];
	s7 =	sor.u32 s6, s30  }
0x4: {  	s2 =	simm.s32 $0x0;
	s1 =	rddreg [dreg:$0x1];
	s3 =	smul.u32 $0x1C, s7  }
0x5: {  	[smem:$0x7FF] =	sst s2;
	s5 =	sadd.s32 $0x187000, s8  }
0x6: {  	_ =	strace $0x80000047;
	s10 =	ssub.s32 $0x2, s6;
	s3 =	sadd.s32 s3, s8  }
0x7: {  	s6 =	simm.s32 $0xE0;
	s4 =	sadd.s32 $0x600, s3;
	s3 =	simm.s32 $0x2  }
0x8: {  	[tilespmem:s2], [sflag:$0x2] =	stream.linear.gather [hbm4b:s4+s2], $0xE0, $0x38;
	[tilespmem:$0x1CE0] =	vst v63  }
0x9: {  	s9 =	smul.u32 $0x380, s7;
	s11 =	sshrl.u32 s10, $0x1;
	_ =	swait.ge [sflag:s3], $0xE0  }
0xa: {  	s7 =	simm.s32 $0x1;
	s31 =	ssub.s32 s10, s11;
	[sflag:s3] =	ssyncset.done $0x0  }
0xb: {  	s8 =	sadd.s32 s9, s8;
	s9 =	smax.u32 s31, $0x1;
	[sflag:s3] =	ssyncadd.s32 $0xFFFFFF20  }
0xc: {  	[tilespmem:s6], [sflag:$0x1] =	stream.indirect.gather [hbm4b:s5+s6], $0x20, s2, s6, $0xb8;
	[tilespmem:$0x1CE0] =	vst v63  }
0xd: {  	p0 =	sne.s32 s9, $0x1;
	_ =	swait.ge [sflag:s7], $0x1C00  }
.Ltmp0:
0xe: {  	[sflag:s7] =	ssyncset.done $0x0;
	(pc) =	sbr.rel @!p0 .LBB2_2-.Ltmp0, $4  }
0xf: {  	s8 =	sadd.s32 $0xA00, s8;
	[sflag:s7] =	ssyncadd.s32 $0xFFFFE400  }
0x10: {  	[hbm4b:s8+s2] =	stream.linear.scatter [tilespmem:s6], [sflag:$0x2], $0x1C00, $0x38;
	[tilespmem:$0x1CE0] =	vst v63  }
0x11: {  	_ =	swait.ge [sflag:s3], $0x1C00  }
0x12: {  	s9 =	sadd.s32 $0xFFFFFFFF, s9;
	[sflag:s3] =	ssyncset.done $0x0  }
.LBB2_1:
0x13: {  	p0 =	sne.s32 s9, $0x1;
	s9 =	sadd.s32 $0xFFFFFFFF, s9;
	[sflag:s3] =	ssyncadd.s32 $0xFFFFE400  }
0x14: {  	[tilespmem:s2], [sflag:$0x2] =	stream.linear.gather [hbm4b:s4+s2], $0xE0, $0x38;
	[tilespmem:$0x1CE0] =	vst v63  }
0x15: {  	_ =	swait.ge [sflag:s3], $0xE0  }
0x16: {  	[sflag:s3] =	ssyncset.done $0x0  }
0x17: {  	[sflag:s3] =	ssyncadd.s32 $0xFFFFFF20  }
0x18: {  	[tilespmem:s6], [sflag:$0x1] =	stream.indirect.gather [hbm4b:s5+s6], $0x20, s2, s6, $0xb8;
	[tilespmem:$0x1CE0] =	vst v63  }
0x19: {  	_ =	swait.ge [sflag:s7], $0x1C00  }
.Ltmp1:
0x1a: {  	[sflag:s7] =	ssyncset.done $0x0;
	(pc) =	sbr.rel @p0 .LBB2_1-.Ltmp1, $4  }
0x1b: {  	[sflag:s7] =	ssyncadd.s32 $0xFFFFE400  }
0x1c: {  	[hbm4b:s8+s2] =	stream.linear.scatter [tilespmem:s6], [sflag:$0x2], $0x1C00, $0x38;
	[tilespmem:$0x1CE0] =	vst v63  }
0x1d: {  	_ =	swait.ge [sflag:s3], $0x1C00  }
0x1e: {  	[sflag:s3] =	ssyncset.done $0x0  }
.LBB2_2:
0x1f: {  	[sflag:s3] =	ssyncadd.s32 $0xFFFFE400  }
0x20: {  	_ =	sfence.sel $0x180000  }
0x21: {  	[bflag:$0x0] =	sbarrier.arrive $0xFFFF  }
0x22: {  	p0 =	sne.s32 s0, $0x0;
	_ =	strace $0x90000047  }
0x23: {  	s0 =	sadd.s32 @!p0 $0x100000, s1;
	[bflag:$0x2] =	sbarrier.arrive $0xFFFF  }
0x24: {  	[sflag:s0] =	ssyncadd.tile.s32 @!p0 $0x1;
	_ =	shalt  }
.Lfunc_end2:
_tile_overlayer_lowered:
.L_overlay_start_2:
0x25: {  	(tag) =	ssettag $0x2  }
0x26: {  	s0 =	rddreg [dreg:$0x0];
	s2 =	stileid.u32  }
0x27: {  	s1 =	rddreg [dreg:$0x1];
	p0 =	sne.s32 s2, $0x0  }
0x28: {  	s3 =	rddreg [dreg:$0x2];
	[bflag:$0x3] =	sbarrier.arrive $0xFFFF;
	s2 =	simm.s32 @!p0 $0x1C02  }
0x29: {  	[timem:s3], [sflag:s2] =	dma.local @!p0 [hbm:s0], s1  }
0x2a: {  	s0 =	simm.s32 @!p0 $0x2  }
0x2b: {  	_ =	swait.ge @!p0 [sflag:s0], s1  }
0x2c: {  	s1 =	ssub.s32 @!p0 $0x0, s1;
	[sflag:s0] =	ssyncset.done @!p0 $0x0  }
0x2d: {  	[sflag:s0] =	ssyncadd.s32 @!p0 s1  }
0x2e: {  	[bflag:$0x3] =	sbarrier.arrive $0xFFFF  }
0x2f: {  	_ =	shalt  }

</sc_bundles>
